<compile_context>
chip_gen: v7x
topology: tpu7x:2x2x1
jax: 0.10.2.dev20260603
libtpu: 0.0.44.dev20260713+nightly
codegen_flags: <defaults>
</compile_context>

<pallas_src>
import functools

import jax
import jax.numpy as jnp
from jax import lax
from jax.experimental import pallas as pl
from jax.experimental.pallas import tpu as pltpu
from jax.experimental.pallas import tpu_sc as plsc

N = 10000
D = 128
C = 16
E = 320000
NC = 2
NS = 16
NW = NC * NS
EPW = E // NW
CHUNK = 80
NCHUNK_A = EPW // CHUNK
EPT = E // NS
DH = D // NC
NCHUNK = EPT // CHUNK
IBLK = 10
NIBLK = NCHUNK // IBLK
WIN = 4
RPT = 632
RPT_LAST = N - (NS - 1) * RPT
BLK = 1024
GRID = (N + BLK - 1) // BLK

_mesh = plsc.VectorSubcoreMesh(core_axis_name="c", subcore_axis_name="s")
_f32 = jnp.float32


@functools.partial(
    pl.kernel,
    out_type=[jax.ShapeDtypeStruct((NC, N), _f32),
              jax.ShapeDtypeStruct((NC, N), _f32)],
    mesh=_mesh,
    scratch_types=[
        pltpu.VMEM((NCHUNK_A, CHUNK), jnp.int32),
        pltpu.VMEM((NCHUNK_A, CHUNK), jnp.int32),
        pltpu.VMEM((CHUNK,), _f32),
        pltpu.VMEM_SHARED((N,), _f32),
        pltpu.VMEM_SHARED((N,), _f32),
        pltpu.SemaphoreType.DMA,
        pltpu.SemaphoreType.DMA,
    ],
    compiler_params=pltpu.CompilerParams(needs_layout_passes=False),
)
def _deg_kernel(src_hbm, dst_hbm, z1_hbm, do_hbm, di_hbm,
                src_v, dst_v, ones_v, do_sh, di_sh, sem_a, sem_b):
    cid = lax.axis_index("c")
    sid = lax.axis_index("s")
    wid = cid * NS + sid
    pltpu.sync_copy(src_hbm.at[wid], src_v)
    pltpu.sync_copy(dst_hbm.at[wid], dst_v)

    def _init_ones(k, carry):
        ones_v[pl.ds(k * 16, 16)] = jnp.ones((16,), _f32)
        return carry
    lax.fori_loop(0, CHUNK // 16, _init_ones, 0)

    @pl.when(sid == 0)
    def _():
        pltpu.sync_copy(z1_hbm, do_sh)
        pltpu.sync_copy(z1_hbm, di_sh)
    plsc.subcore_barrier()

    def _step(j, carry):
        @pl.when(j >= WIN)
        def _():
            pltpu.make_async_copy(
                ones_v, do_sh.at[src_v.at[j - WIN]], sem_a).wait()
            pltpu.make_async_copy(
                ones_v, di_sh.at[dst_v.at[j - WIN]], sem_b).wait()
        pltpu.async_copy(ones_v, do_sh.at[src_v.at[j]], sem_a, add=True)
        pltpu.async_copy(ones_v, di_sh.at[dst_v.at[j]], sem_b, add=True)
        return carry
    lax.fori_loop(0, NCHUNK_A, _step, 0)

    def _drain(j, carry):
        pltpu.make_async_copy(ones_v, do_sh.at[src_v.at[j]], sem_a).wait()
        pltpu.make_async_copy(ones_v, di_sh.at[dst_v.at[j]], sem_b).wait()
        return carry
    lax.fori_loop(NCHUNK_A - WIN, NCHUNK_A, _drain, 0)
    plsc.subcore_barrier()

    @pl.when(sid == 0)
    def _():
        pltpu.sync_copy(do_sh, do_hbm.at[cid])
        pltpu.sync_copy(di_sh, di_hbm.at[cid])


@functools.partial(
    pl.kernel,
    out_type=[jax.ShapeDtypeStruct((NC, N, DH), _f32),
              jax.ShapeDtypeStruct((NC, N), _f32)],
    mesh=_mesh,
    scratch_types=[
        pltpu.VMEM((2, IBLK, CHUNK), jnp.int32),
        pltpu.VMEM((2, IBLK, CHUNK), jnp.int32),
        pltpu.VMEM((4, CHUNK, DH), _f32),
        pltpu.VMEM((4, CHUNK), _f32),
        pltpu.VMEM_SHARED((N, DH), _f32),
        pltpu.VMEM_SHARED((N,), _f32),
        pltpu.VMEM_SHARED((N,), _f32),
        pltpu.SemaphoreType.DMA((4,)),
        pltpu.SemaphoreType.DMA((4,)),
        pltpu.SemaphoreType.DMA((4,)),
        pltpu.SemaphoreType.DMA((4,)),
        pltpu.SemaphoreType.DMA,
        pltpu.SemaphoreType.DMA,
    ],
    compiler_params=pltpu.CompilerParams(needs_layout_passes=False,
                                         use_tc_tiling_on_sc=False),
)
def _agg_kernel(src_hbm, dst_hbm, y_hbm, nd_hbm, z1_hbm, z2_hbm,
                agg_hbm, c_hbm,
                src_w, dst_w, rows_v, cupd_v,
                agg_sh, c_sh, nd_sh,
                gr_sem, gc_sem, sr_sem, sc_sem, ip_src, ip_dst):
    cid = lax.axis_index("c")
    sid = lax.axis_index("s")
    yh = y_hbm.at[cid]
    pltpu.sync_copy(src_hbm.at[sid, 0], src_w.at[0])
    pltpu.sync_copy(dst_hbm.at[sid, 0], dst_w.at[0])
    @pl.when(sid < NS - 1)
    def _():
        pltpu.sync_copy(z2_hbm.at[pl.ds(sid * RPT, RPT)],
                        agg_sh.at[pl.ds(sid * RPT, RPT)])

    @pl.when(sid == NS - 1)
    def _():
        pltpu.sync_copy(z2_hbm.at[pl.ds((NS - 1) * RPT, RPT_LAST)],
                        agg_sh.at[pl.ds((NS - 1) * RPT, RPT_LAST)])

    @pl.when(sid == 0)
    def _():
        pltpu.sync_copy(z1_hbm, c_sh)
        pltpu.sync_copy(nd_hbm, nd_sh)
    plsc.subcore_barrier()

    def _src_row(j):
        return src_w.at[lax.rem(j // IBLK, 2), lax.rem(j, IBLK)]

    def _dst_row(j):
        return dst_w.at[lax.rem(j // IBLK, 2), lax.rem(j, IBLK)]

    def _issue_gathers(j, slot):
        pltpu.async_copy(yh.at[_src_row(j)], rows_v.at[slot],
                         gr_sem.at[slot])
        pltpu.async_copy(nd_sh.at[_dst_row(j)], cupd_v.at[slot],
                         gc_sem.at[slot])

    def _wait_gathers(j, slot):
        pltpu.make_async_copy(yh.at[_src_row(j)], rows_v.at[slot],
                              gr_sem.at[slot]).wait()
        pltpu.make_async_copy(nd_sh.at[_dst_row(j)], cupd_v.at[slot],
                              gc_sem.at[slot]).wait()

    def _issue_scatters(j, slot):
        pltpu.async_copy(rows_v.at[slot], agg_sh.at[_dst_row(j)],
                         sr_sem.at[slot], add=True)
        pltpu.async_copy(cupd_v.at[slot], c_sh.at[_src_row(j)],
                         sc_sem.at[slot], add=True)

    def _wait_scatters(j, slot):
        pltpu.make_async_copy(rows_v.at[slot], agg_sh.at[_dst_row(j)],
                              sr_sem.at[slot]).wait()
        pltpu.make_async_copy(cupd_v.at[slot], c_sh.at[_src_row(j)],
                              sc_sem.at[slot]).wait()

    _issue_gathers(0, 0)

    def _step(j, carry):
        slot = lax.rem(j, 4)
        nslot = lax.rem(j + 1, 4)
        b = j // IBLK
        k = lax.rem(j, IBLK)

        @pl.when(j >= 3)
        def _():
            _wait_scatters(j - 3, nslot)

        @pl.when((k == 3) & (b + 1 < NIBLK))
        def _():
            pltpu.async_copy(src_hbm.at[sid, b + 1],
                             src_w.at[lax.rem(b + 1, 2)], ip_src)
            pltpu.async_copy(dst_hbm.at[sid, b + 1],
                             dst_w.at[lax.rem(b + 1, 2)], ip_dst)

        @pl.when((k == IBLK - 1) & (b + 1 < NIBLK))
        def _():
            pltpu.make_async_copy(src_hbm.at[sid, 0],
                                  src_w.at[lax.rem(b + 1, 2)],
                                  ip_src).wait()
            pltpu.make_async_copy(dst_hbm.at[sid, 0],
                                  dst_w.at[lax.rem(b + 1, 2)],
                                  ip_dst).wait()

        @pl.when(j + 1 < NCHUNK)
        def _():
            _issue_gathers(j + 1, nslot)
        _wait_gathers(j, slot)
        _issue_scatters(j, slot)
        return carry
    lax.fori_loop(0, NCHUNK, _step, 0)

    def _draint(j, carry):
        _wait_scatters(j, lax.rem(j, 4))
        return carry
    lax.fori_loop(NCHUNK - 3, NCHUNK, _draint, 0)
    plsc.subcore_barrier()

    @pl.when(sid < NS - 1)
    def _():
        pltpu.sync_copy(agg_sh.at[pl.ds(sid * RPT, RPT)],
                        agg_hbm.at[cid, pl.ds(sid * RPT, RPT)])

    @pl.when(sid == NS - 1)
    def _():
        pltpu.sync_copy(agg_sh.at[pl.ds((NS - 1) * RPT, RPT_LAST)],
                        agg_hbm.at[cid, pl.ds((NS - 1) * RPT, RPT_LAST)])

    @pl.when(sid == 0)
    def _():
        pltpu.sync_copy(c_sh, c_hbm.at[cid])


def _norms_body(dop_ref, dip_ref, ns_ref, nd_ref):
    do = dop_ref[0:1, :] + dop_ref[1:2, :]
    di = dip_ref[0:1, :] + dip_ref[1:2, :]
    ns_ref[...] = lax.rsqrt(jnp.maximum(do, 1.0))
    nd_ref[...] = lax.rsqrt(jnp.maximum(di, 1.0))


def _mm_body(x_ref, w_ref, ns_ref, y_ref):
    yy = jnp.dot(x_ref[...], w_ref[...],
                 preferred_element_type=_f32) * ns_ref[...]
    y_ref[0] = yy[:, :DH]
    y_ref[1] = yy[:, DH:]


def _fin_body(agg_ref, nd_ref, ns_ref, cp_ref, b1_ref, w2_ref, b2_ref,
              out_ref, acc_ref):
    i = pl.program_id(0)

    @pl.when(i == 0)
    def _():
        acc_ref[...] = jnp.zeros_like(acc_ref)

    agg = jnp.concatenate([agg_ref[0], agg_ref[1]], axis=1)
    h1 = jnp.maximum(agg * nd_ref[...] + b1_ref[...], 0.0)
    c = ns_ref[...] * (0.5 * (cp_ref[0] + cp_ref[1]))
    rows = i * BLK + lax.broadcasted_iota(jnp.int32, (BLK, 1), 0)
    contrib = jnp.where(rows < N, h1 * c, 0.0)
    acc_ref[...] += jnp.sum(contrib, axis=0, keepdims=True)

    @pl.when(i == pl.num_programs(0) - 1)
    def _():
        v = acc_ref[...] * (1.0 / N)
        out_ref[...] = jnp.dot(v, w2_ref[...],
                               preferred_element_type=_f32) + b2_ref[...]


def kernel(x, edge_index, W1, b1, W2, b2):
    src32 = edge_index[0].astype(jnp.int32)
    dst32 = edge_index[1].astype(jnp.int32)
    src3 = src32.reshape(NW, NCHUNK_A, CHUNK)
    dst3 = dst32.reshape(NW, NCHUNK_A, CHUNK)
    src4 = src32.reshape(NS, NIBLK, IBLK, CHUNK)
    dst4 = dst32.reshape(NS, NIBLK, IBLK, CHUNK)
    z1 = jnp.zeros((N,), _f32)
    z2 = jnp.zeros((N, DH), _f32)

    do_p, di_p = _deg_kernel(src3, dst3, z1)

    ns_row, nd_row = pl.pallas_call(
        _norms_body,
        out_shape=[jax.ShapeDtypeStruct((1, N), _f32),
                   jax.ShapeDtypeStruct((1, N), _f32)],
    )(do_p, di_p)
    ns_col = ns_row.reshape(N, 1)
    nd_col = nd_row.reshape(N, 1)
    nd_flat = nd_row.reshape(N)

    y = pl.pallas_call(
        _mm_body,
        grid=(GRID,),
        in_specs=[
            pl.BlockSpec((BLK, D), lambda i: (i, 0)),
            pl.BlockSpec((D, D), lambda i: (0, 0)),
            pl.BlockSpec((BLK, 1), lambda i: (i, 0)),
        ],
        out_specs=pl.BlockSpec((NC, BLK, DH), lambda i: (0, i, 0)),
        out_shape=jax.ShapeDtypeStruct((NC, N, DH), _f32),
    )(x, W1, ns_col)

    agg_p, c_p = _agg_kernel(src4, dst4, y, nd_flat, z1, z2)
    c_p3 = c_p.reshape(NC, N, 1)

    out = pl.pallas_call(
        _fin_body,
        grid=(GRID,),
        in_specs=[
            pl.BlockSpec((NC, BLK, DH), lambda i: (0, i, 0)),
            pl.BlockSpec((BLK, 1), lambda i: (i, 0)),
            pl.BlockSpec((BLK, 1), lambda i: (i, 0)),
            pl.BlockSpec((NC, BLK, 1), lambda i: (0, i, 0)),
            pl.BlockSpec((1, D), lambda i: (0, 0)),
            pl.BlockSpec((D, C), lambda i: (0, 0)),
            pl.BlockSpec((1, C), lambda i: (0, 0)),
        ],
        out_specs=pl.BlockSpec((1, C), lambda i: (0, 0)),
        out_shape=jax.ShapeDtypeStruct((1, C), _f32),
        scratch_shapes=[pltpu.VMEM((1, D), _f32)],
    )(agg_p, nd_col, ns_col, c_p3, b1.reshape(1, D), W2, b2.reshape(1, C))

    return out.reshape(C)

# --- scband reference (transcript-rebuilt; emitter-appended) ---
"""Pipeline reference for scband-graph-classifier-3401614098982 (READ-ONLY COPY).

The authoritative reference and input builder live on the scoring server;
editing this copy changes nothing except your own understanding.
"""

import jax, jax.numpy as jnp
import numpy as np

N = 10000
E = 320000
D_IN = 128
D_H = 128
C = 16


def setup_inputs(seed: int = 0) -> dict:
    key = jax.random.key(seed)
    k1, k2, k3, k4, k5 = jax.random.split(key, 5)
    x = jax.random.normal(k1, (N, D_IN), dtype=jnp.float32)
    edge_index = jax.random.randint(k2, (2, E), 0, N).astype(jnp.int64)
    W1 = jax.random.normal(k3, (D_IN, D_H), dtype=jnp.float32) * (1.0 / np.sqrt(D_IN))
    b1 = jnp.zeros((D_H,), dtype=jnp.float32)
    W2 = jax.random.normal(k4, (D_H, C), dtype=jnp.float32) * (1.0 / np.sqrt(D_H))
    b2 = jnp.zeros((C,), dtype=jnp.float32)
    return {"x": x, "edge_index": edge_index, "W1": W1, "b1": b1, "W2": W2, "b2": b2}


def _graph_conv(x, src, dst, W, b, n_nodes, activation=None):
    # DGL GraphConv with norm='both': h = D_in^{-1/2} A D_out^{-1/2} x W + b
    ones = jnp.ones((src.shape[0],), dtype=x.dtype)
    deg_out = jax.ops.segment_sum(ones, src, num_segments=n_nodes)
    deg_in = jax.ops.segment_sum(ones, dst, num_segments=n_nodes)
    norm_src = jnp.where(deg_out > 0, deg_out, 1.0) ** (-0.5)
    norm_dst = jnp.where(deg_in > 0, deg_in, 1.0) ** (-0.5)
    h = x * norm_src[:, None]
    msgs = jnp.take(h, src, axis=0)
    agg = jnp.zeros((n_nodes, x.shape[1]), dtype=x.dtype).at[dst].add(msgs)
    agg = agg * norm_dst[:, None]
    out = agg @ W + b
    if activation is not None:
        out = activation(out)
    return out


def reference(x, edge_index, W1, b1, W2, b2):
    src = edge_index[0]
    dst = edge_index[1]
    n_nodes = x.shape[0]
    h = _graph_conv(x, src, dst, W1, b1, n_nodes, activation=jax.nn.relu)
    h = _graph_conv(h, src, dst, W2, b2, n_nodes, activation=None)
    # dgl.mean_nodes over a single graph: mean over all nodes
    return jnp.mean(h, axis=0)

if __name__ == "__main__":
    import jax
    _d = setup_inputs()
    print(jax.jit(kernel)(*tuple(_d.values())))

</pallas_src>

<mosaic_0001>
#map = affine_map<(d0, d1) -> (0, 0, 0, 0)>
#map1 = affine_map<(d0, d1) -> (0, 0, 0)>
#map2 = affine_map<(d0, d1) -> (0)>
#map3 = affine_map<(d0, d1) -> (0, 0)>
module attributes {stable_mosaic.version = 14 : i64} {
  func.func @_agg_kernel(%arg0: i32, %arg1: i32, %arg2: memref<16x25x10x80xi32, #tpu.memory_space<hbm>>, %arg3: memref<16x25x10x80xi32, #tpu.memory_space<hbm>>, %arg4: memref<2x10000x64xf32, #tpu.memory_space<hbm>>, %arg5: memref<10000xf32, #tpu.memory_space<hbm>>, %arg6: memref<10000xf32, #tpu.memory_space<hbm>>, %arg7: memref<10000x64xf32, #tpu.memory_space<hbm>>, %arg8: memref<2x10000x64xf32, #tpu.memory_space<hbm>>, %arg9: memref<2x10000xf32, #tpu.memory_space<hbm>>, %arg10: memref<2x10x80xi32, #tpu.memory_space<vmem>>, %arg11: memref<2x10x80xi32, #tpu.memory_space<vmem>>, %arg12: memref<4x80x64xf32, #tpu.memory_space<vmem>>, %arg13: memref<4x80xf32, #tpu.memory_space<vmem>>, %arg14: memref<10000x64xf32, #tpu.memory_space<vmem_shared>>, %arg15: memref<10000xf32, #tpu.memory_space<vmem_shared>>, %arg16: memref<10000xf32, #tpu.memory_space<vmem_shared>>, %arg17: memref<4x!tpu.dma_semaphore, #tpu.memory_space<semaphore_mem>>, %arg18: memref<4x!tpu.dma_semaphore, #tpu.memory_space<semaphore_mem>>, %arg19: memref<4x!tpu.dma_semaphore, #tpu.memory_space<semaphore_mem>>, %arg20: memref<4x!tpu.dma_semaphore, #tpu.memory_space<semaphore_mem>>, %arg21: memref<!tpu.dma_semaphore, #tpu.memory_space<semaphore_mem>>, %arg22: memref<!tpu.dma_semaphore, #tpu.memory_space<semaphore_mem>>) attributes {dimension_semantics = [#tpu.dimension_semantics<core_parallel>, #tpu.dimension_semantics<subcore_parallel>], iteration_bounds = array<i64: 2, 16>, scalar_prefetch = 0 : i64, scratch_operands = 13 : i64, tpu.core_type = #tpu.core_type<sc_vector_subcore>, window_params = [{transform_indices = #map}, {transform_indices = #map}, {transform_indices = #map1}, {transform_indices = #map2}, {transform_indices = #map2}, {transform_indices = #map3}, {transform_indices = #map1}, {transform_indices = #map3}]} {
    %run_scoped3A = arith.constant 0 : i32
    %run_scoped3A_0 = arith.constant 0 : i32
    "tpu.region"() ({
      %run_scoped3A_81 = tpu.sem_alloc : memref<!tpu.dma_semaphore, #tpu.memory_space<semaphore_mem>>
      %dma_start3A_82 = arith.constant 0 : i32
      %dma_start3A_83 = arith.constant 0 : i32
      %dma_start3A_84 = tpu.memref_slice %arg10[%run_scoped3A_0, %dma_start3A_82, %dma_start3A_83] : memref<2x10x80xi32, #tpu.memory_space<vmem>> -> memref<1x10x80xi32, #tpu.memory_space<vmem>>
      %dma_start3A_85 = tpu.memref_squeeze %dma_start3A_84 : memref<1x10x80xi32, #tpu.memory_space<vmem>> -> memref<10x80xi32, #tpu.memory_space<vmem>>
      %dma_start3A_86 = arith.constant 0 : i32
      %dma_start3A_87 = arith.constant 0 : i32
      %dma_start3A_88 = tpu.memref_slice %arg2[%arg1, %run_scoped3A, %dma_start3A_86, %dma_start3A_87] : memref<16x25x10x80xi32, #tpu.memory_space<hbm>> -> memref<1x1x10x80xi32, #tpu.memory_space<hbm>>
      %dma_start3A_89 = tpu.memref_squeeze %dma_start3A_88 : memref<1x1x10x80xi32, #tpu.memory_space<hbm>> -> memref<10x80xi32, #tpu.memory_space<hbm>>
      %dma_start3A_90 = arith.constant 0 : i32
      %dma_start3A_91 = arith.constant 0 : i32
      %dma_start3A_92 = tpu.memref_slice %arg10[%run_scoped3A_0, %dma_start3A_90, %dma_start3A_91] : memref<2x10x80xi32, #tpu.memory_space<vmem>> -> memref<1x10x80xi32, #tpu.memory_space<vmem>>
      %dma_start3A_93 = tpu.memref_squeeze %dma_start3A_92 : memref<1x10x80xi32, #tpu.memory_space<vmem>> -> memref<10x80xi32, #tpu.memory_space<vmem>>
      %dma_start3A_94 = arith.constant 0 : i32
      %dma_start3A_95 = arith.constant 0 : i32
      %dma_start3A_96 = tpu.memref_slice %arg2[%arg1, %run_scoped3A, %dma_start3A_94, %dma_start3A_95] : memref<16x25x10x80xi32, #tpu.memory_space<hbm>> -> memref<1x1x10x80xi32, #tpu.memory_space<hbm>>
      %dma_start3A_97 = tpu.memref_squeeze %dma_start3A_96 : memref<1x1x10x80xi32, #tpu.memory_space<hbm>> -> memref<10x80xi32, #tpu.memory_space<hbm>>
      tpu.enqueue_dma source(%dma_start3A_97 : memref<10x80xi32, #tpu.memory_space<hbm>>) target(%dma_start3A_93 : memref<10x80xi32, #tpu.memory_space<vmem>>) target_semaphore(%run_scoped3A_81 : memref<!tpu.dma_semaphore, #tpu.memory_space<semaphore_mem>>)
      %dma_wait3A = arith.constant 0 : i32
      %dma_wait3A_98 = arith.constant 0 : i32
      %dma_wait3A_99 = tpu.memref_slice %arg10[%run_scoped3A_0, %dma_wait3A, %dma_wait3A_98] : memref<2x10x80xi32, #tpu.memory_space<vmem>> -> memref<1x10x80xi32, #tpu.memory_space<vmem>>
      %dma_wait3A_100 = tpu.memref_squeeze %dma_wait3A_99 : memref<1x10x80xi32, #tpu.memory_space<vmem>> -> memref<10x80xi32, #tpu.memory_space<vmem>>
      %dma_wait3A_101 = arith.constant 0 : i32
      %dma_wait3A_102 = arith.constant 0 : i32
      %dma_wait3A_103 = tpu.memref_slice %arg2[%arg1, %run_scoped3A, %dma_wait3A_101, %dma_wait3A_102] : memref<16x25x10x80xi32, #tpu.memory_space<hbm>> -> memref<1x1x10x80xi32, #tpu.memory_space<hbm>>
      %dma_wait3A_104 = tpu.memref_squeeze %dma_wait3A_103 : memref<1x1x10x80xi32, #tpu.memory_space<hbm>> -> memref<10x80xi32, #tpu.memory_space<hbm>>
      %dma_wait3A_105 = arith.constant 0 : i32
      %dma_wait3A_106 = arith.constant 0 : i32
      %dma_wait3A_107 = tpu.memref_slice %arg10[%run_scoped3A_0, %dma_wait3A_105, %dma_wait3A_106] : memref<2x10x80xi32, #tpu.memory_space<vmem>> -> memref<1x10x80xi32, #tpu.memory_space<vmem>>
      %dma_wait3A_108 = tpu.memref_squeeze %dma_wait3A_107 : memref<1x10x80xi32, #tpu.memory_space<vmem>> -> memref<10x80xi32, #tpu.memory_space<vmem>>
      %dma_wait3A_109 = arith.constant 0 : i32
      %dma_wait3A_110 = arith.constant 0 : i32
      %dma_wait3A_111 = tpu.memref_slice %arg2[%arg1, %run_scoped3A, %dma_wait3A_109, %dma_wait3A_110] : memref<16x25x10x80xi32, #tpu.memory_space<hbm>> -> memref<1x1x10x80xi32, #tpu.memory_space<hbm>>
      %dma_wait3A_112 = tpu.memref_squeeze %dma_wait3A_111 : memref<1x1x10x80xi32, #tpu.memory_space<hbm>> -> memref<10x80xi32, #tpu.memory_space<hbm>>
      tpu.wait_dma2 semaphore(%run_scoped3A_81 : memref<!tpu.dma_semaphore, #tpu.memory_space<semaphore_mem>>) src(%dma_wait3A_112 : memref<10x80xi32, #tpu.memory_space<hbm>>) dst(%dma_wait3A_108 : memref<10x80xi32, #tpu.memory_space<vmem>>)
      tpu.yield
    }) : () -> ()
    %run_scoped3A_1 = arith.constant 0 : i32
    %run_scoped3A_2 = arith.constant 0 : i32
    "tpu.region"() ({
      %run_scoped3A_81 = tpu.sem_alloc : memref<!tpu.dma_semaphore, #tpu.memory_space<semaphore_mem>>
      %dma_start3A_82 = arith.constant 0 : i32
      %dma_start3A_83 = arith.constant 0 : i32
      %dma_start3A_84 = tpu.memref_slice %arg11[%run_scoped3A_2, %dma_start3A_82, %dma_start3A_83] : memref<2x10x80xi32, #tpu.memory_space<vmem>> -> memref<1x10x80xi32, #tpu.memory_space<vmem>>
      %dma_start3A_85 = tpu.memref_squeeze %dma_start3A_84 : memref<1x10x80xi32, #tpu.memory_space<vmem>> -> memref<10x80xi32, #tpu.memory_space<vmem>>
      %dma_start3A_86 = arith.constant 0 : i32
      %dma_start3A_87 = arith.constant 0 : i32
      %dma_start3A_88 = tpu.memref_slice %arg3[%arg1, %run_scoped3A_1, %dma_start3A_86, %dma_start3A_87] : memref<16x25x10x80xi32, #tpu.memory_space<hbm>> -> memref<1x1x10x80xi32, #tpu.memory_space<hbm>>
      %dma_start3A_89 = tpu.memref_squeeze %dma_start3A_88 : memref<1x1x10x80xi32, #tpu.memory_space<hbm>> -> memref<10x80xi32, #tpu.memory_space<hbm>>
      %dma_start3A_90 = arith.constant 0 : i32
      %dma_start3A_91 = arith.constant 0 : i32
      %dma_start3A_92 = tpu.memref_slice %arg11[%run_scoped3A_2, %dma_start3A_90, %dma_start3A_91] : memref<2x10x80xi32, #tpu.memory_space<vmem>> -> memref<1x10x80xi32, #tpu.memory_space<vmem>>
      %dma_start3A_93 = tpu.memref_squeeze %dma_start3A_92 : memref<1x10x80xi32, #tpu.memory_space<vmem>> -> memref<10x80xi32, #tpu.memory_space<vmem>>
      %dma_start3A_94 = arith.constant 0 : i32
      %dma_start3A_95 = arith.constant 0 : i32
      %dma_start3A_96 = tpu.memref_slice %arg3[%arg1, %run_scoped3A_1, %dma_start3A_94, %dma_start3A_95] : memref<16x25x10x80xi32, #tpu.memory_space<hbm>> -> memref<1x1x10x80xi32, #tpu.memory_space<hbm>>
      %dma_start3A_97 = tpu.memref_squeeze %dma_start3A_96 : memref<1x1x10x80xi32, #tpu.memory_space<hbm>> -> memref<10x80xi32, #tpu.memory_space<hbm>>
      tpu.enqueue_dma source(%dma_start3A_97 : memref<10x80xi32, #tpu.memory_space<hbm>>) target(%dma_start3A_93 : memref<10x80xi32, #tpu.memory_space<vmem>>) target_semaphore(%run_scoped3A_81 : memref<!tpu.dma_semaphore, #tpu.memory_space<semaphore_mem>>)
      %dma_wait3A = arith.constant 0 : i32
      %dma_wait3A_98 = arith.constant 0 : i32
      %dma_wait3A_99 = tpu.memref_slice %arg11[%run_scoped3A_2, %dma_wait3A, %dma_wait3A_98] : memref<2x10x80xi32, #tpu.memory_space<vmem>> -> memref<1x10x80xi32, #tpu.memory_space<vmem>>
      %dma_wait3A_100 = tpu.memref_squeeze %dma_wait3A_99 : memref<1x10x80xi32, #tpu.memory_space<vmem>> -> memref<10x80xi32, #tpu.memory_space<vmem>>
      %dma_wait3A_101 = arith.constant 0 : i32
      %dma_wait3A_102 = arith.constant 0 : i32
      %dma_wait3A_103 = tpu.memref_slice %arg3[%arg1, %run_scoped3A_1, %dma_wait3A_101, %dma_wait3A_102] : memref<16x25x10x80xi32, #tpu.memory_space<hbm>> -> memref<1x1x10x80xi32, #tpu.memory_space<hbm>>
      %dma_wait3A_104 = tpu.memref_squeeze %dma_wait3A_103 : memref<1x1x10x80xi32, #tpu.memory_space<hbm>> -> memref<10x80xi32, #tpu.memory_space<hbm>>
      %dma_wait3A_105 = arith.constant 0 : i32
      %dma_wait3A_106 = arith.constant 0 : i32
      %dma_wait3A_107 = tpu.memref_slice %arg11[%run_scoped3A_2, %dma_wait3A_105, %dma_wait3A_106] : memref<2x10x80xi32, #tpu.memory_space<vmem>> -> memref<1x10x80xi32, #tpu.memory_space<vmem>>
      %dma_wait3A_108 = tpu.memref_squeeze %dma_wait3A_107 : memref<1x10x80xi32, #tpu.memory_space<vmem>> -> memref<10x80xi32, #tpu.memory_space<vmem>>
      %dma_wait3A_109 = arith.constant 0 : i32
      %dma_wait3A_110 = arith.constant 0 : i32
      %dma_wait3A_111 = tpu.memref_slice %arg3[%arg1, %run_scoped3A_1, %dma_wait3A_109, %dma_wait3A_110] : memref<16x25x10x80xi32, #tpu.memory_space<hbm>> -> memref<1x1x10x80xi32, #tpu.memory_space<hbm>>
      %dma_wait3A_112 = tpu.memref_squeeze %dma_wait3A_111 : memref<1x1x10x80xi32, #tpu.memory_space<hbm>> -> memref<10x80xi32, #tpu.memory_space<hbm>>
      tpu.wait_dma2 semaphore(%run_scoped3A_81 : memref<!tpu.dma_semaphore, #tpu.memory_space<semaphore_mem>>) src(%dma_wait3A_112 : memref<10x80xi32, #tpu.memory_space<hbm>>) dst(%dma_wait3A_108 : memref<10x80xi32, #tpu.memory_space<vmem>>)
      tpu.yield
    }) : () -> ()
    %lt3A = arith.constant 15 : i32
    %lt3A_3 = arith.cmpi slt, %arg1, %lt3A : i32
    %convert_element_type3A = arith.extui %lt3A_3 : i1 to i32
    %cond3A = arith.constant 0 : i32
    %cond3A_4 = arith.cmpi ne, %convert_element_type3A, %cond3A : i32
    scf.if %cond3A_4 {
      %mul3A = arith.constant 632 : i32
      %mul3A_81 = arith.muli %arg1, %mul3A : i32
      %mul3A_82 = arith.constant 632 : i32
      %mul3A_83 = arith.muli %arg1, %mul3A_82 : i32
      "tpu.region"() ({
        %run_scoped3A_84 = tpu.sem_alloc : memref<!tpu.dma_semaphore, #tpu.memory_space<semaphore_mem>>
        %dma_start3A_85 = arith.constant 0 : i32
        %dma_start3A_86 = tpu.memref_slice %arg14[%mul3A_83, %dma_start3A_85] : memref<10000x64xf32, #tpu.memory_space<vmem_shared>> -> memref<632x64xf32, #tpu.memory_space<vmem_shared>>
        %dma_start3A_87 = arith.constant 0 : i32
        %dma_start3A_88 = tpu.memref_slice %arg7[%mul3A_81, %dma_start3A_87] : memref<10000x64xf32, #tpu.memory_space<hbm>> -> memref<632x64xf32, #tpu.memory_space<hbm>>
        tpu.enqueue_dma source(%dma_start3A_88 : memref<632x64xf32, #tpu.memory_space<hbm>>) target(%dma_start3A_86 : memref<632x64xf32, #tpu.memory_space<vmem_shared>>) target_semaphore(%run_scoped3A_84 : memref<!tpu.dma_semaphore, #tpu.memory_space<semaphore_mem>>)
        %dma_wait3A = arith.constant 0 : i32
        %dma_wait3A_89 = tpu.memref_slice %arg14[%mul3A_83, %dma_wait3A] : memref<10000x64xf32, #tpu.memory_space<vmem_shared>> -> memref<632x64xf32, #tpu.memory_space<vmem_shared>>
        %dma_wait3A_90 = arith.constant 0 : i32
        %dma_wait3A_91 = tpu.memref_slice %arg7[%mul3A_81, %dma_wait3A_90] : memref<10000x64xf32, #tpu.memory_space<hbm>> -> memref<632x64xf32, #tpu.memory_space<hbm>>
        tpu.wait_dma2 semaphore(%run_scoped3A_84 : memref<!tpu.dma_semaphore, #tpu.memory_space<semaphore_mem>>) src(%dma_wait3A_91 : memref<632x64xf32, #tpu.memory_space<hbm>>) dst(%dma_wait3A_89 : memref<632x64xf32, #tpu.memory_space<vmem_shared>>)
        tpu.yield
      }) : () -> ()
    } else {
    }
    %eq3A = arith.constant 15 : i32
    %eq3A_5 = arith.cmpi eq, %arg1, %eq3A : i32
    %convert_element_type3A_6 = arith.extui %eq3A_5 : i1 to i32
    %cond3A_7 = arith.constant 0 : i32
    %cond3A_8 = arith.cmpi ne, %convert_element_type3A_6, %cond3A_7 : i32
    scf.if %cond3A_8 {
      "tpu.region"() ({
        %run_scoped3A_81 = tpu.sem_alloc : memref<!tpu.dma_semaphore, #tpu.memory_space<semaphore_mem>>
        %dma_start3A_82 = arith.constant 9480 : i32
        %dma_start3A_83 = arith.constant 0 : i32
        %dma_start3A_84 = tpu.memref_slice %arg14[%dma_start3A_82, %dma_start3A_83] : memref<10000x64xf32, #tpu.memory_space<vmem_shared>> -> memref<520x64xf32, #tpu.memory_space<vmem_shared>>
        %dma_start3A_85 = arith.constant 9480 : i32
        %dma_start3A_86 = arith.constant 0 : i32
        %dma_start3A_87 = tpu.memref_slice %arg7[%dma_start3A_85, %dma_start3A_86] : memref<10000x64xf32, #tpu.memory_space<hbm>> -> memref<520x64xf32, #tpu.memory_space<hbm>>
        tpu.enqueue_dma source(%dma_start3A_87 : memref<520x64xf32, #tpu.memory_space<hbm>>) target(%dma_start3A_84 : memref<520x64xf32, #tpu.memory_space<vmem_shared>>) target_semaphore(%run_scoped3A_81 : memref<!tpu.dma_semaphore, #tpu.memory_space<semaphore_mem>>)
        %dma_wait3A = arith.constant 9480 : i32
        %dma_wait3A_88 = arith.constant 0 : i32
        %dma_wait3A_89 = tpu.memref_slice %arg14[%dma_wait3A, %dma_wait3A_88] : memref<10000x64xf32, #tpu.memory_space<vmem_shared>> -> memref<520x64xf32, #tpu.memory_space<vmem_shared>>
        %dma_wait3A_90 = arith.constant 9480 : i32
        %dma_wait3A_91 = arith.constant 0 : i32
        %dma_wait3A_92 = tpu.memref_slice %arg7[%dma_wait3A_90, %dma_wait3A_91] : memref<10000x64xf32, #tpu.memory_space<hbm>> -> memref<520x64xf32, #tpu.memory_space<hbm>>
        tpu.wait_dma2 semaphore(%run_scoped3A_81 : memref<!tpu.dma_semaphore, #tpu.memory_space<semaphore_mem>>) src(%dma_wait3A_92 : memref<520x64xf32, #tpu.memory_space<hbm>>) dst(%dma_wait3A_89 : memref<520x64xf32, #tpu.memory_space<vmem_shared>>)
        tpu.yield
      }) : () -> ()
    } else {
    }
    %eq3A_9 = arith.constant 0 : i32
    %eq3A_10 = arith.cmpi eq, %arg1, %eq3A_9 : i32
    %convert_element_type3A_11 = arith.extui %eq3A_10 : i1 to i32
    %cond3A_12 = arith.constant 0 : i32
    %cond3A_13 = arith.cmpi ne, %convert_element_type3A_11, %cond3A_12 : i32
    scf.if %cond3A_13 {
      "tpu.region"() ({
        %run_scoped3A_81 = tpu.sem_alloc : memref<!tpu.dma_semaphore, #tpu.memory_space<semaphore_mem>>
        tpu.enqueue_dma source(%arg6 : memref<10000xf32, #tpu.memory_space<hbm>>) target(%arg15 : memref<10000xf32, #tpu.memory_space<vmem_shared>>) target_semaphore(%run_scoped3A_81 : memref<!tpu.dma_semaphore, #tpu.memory_space<semaphore_mem>>)
        tpu.wait_dma2 semaphore(%run_scoped3A_81 : memref<!tpu.dma_semaphore, #tpu.memory_space<semaphore_mem>>) src(%arg6 : memref<10000xf32, #tpu.memory_space<hbm>>) dst(%arg15 : memref<10000xf32, #tpu.memory_space<vmem_shared>>)
        tpu.yield
      }) : () -> ()
      "tpu.region"() ({
        %run_scoped3A_81 = tpu.sem_alloc : memref<!tpu.dma_semaphore, #tpu.memory_space<semaphore_mem>>
        tpu.enqueue_dma source(%arg5 : memref<10000xf32, #tpu.memory_space<hbm>>) target(%arg16 : memref<10000xf32, #tpu.memory_space<vmem_shared>>) target_semaphore(%run_scoped3A_81 : memref<!tpu.dma_semaphore, #tpu.memory_space<semaphore_mem>>)
        tpu.wait_dma2 semaphore(%run_scoped3A_81 : memref<!tpu.dma_semaphore, #tpu.memory_space<semaphore_mem>>) src(%arg5 : memref<10000xf32, #tpu.memory_space<hbm>>) dst(%arg16 : memref<10000xf32, #tpu.memory_space<vmem_shared>>)
        tpu.yield
      }) : () -> ()
    } else {
    }
    %barrier3A = arith.constant 0 : index
    tpu.barrier barrier_id(%barrier3A)
    %rem3A = arith.constant 0 : i32
    %rem3A_14 = arith.constant 2 : i32
    %rem3A_15 = arith.remsi %rem3A, %rem3A_14 : i32
    %rem3A_16 = arith.constant 0 : i32
    %rem3A_17 = arith.constant 10 : i32
    %rem3A_18 = arith.remsi %rem3A_16, %rem3A_17 : i32
    %dma_start3A = arith.constant 0 : i32
    %dma_start3A_19 = arith.constant 0 : i32
    %dma_start3A_20 = arith.constant 0 : i32
    %dma_start3A_21 = arith.constant 0 : i32
    %dma_start3A_22 = tpu.memref_slice %arg12[%dma_start3A, %dma_start3A_20, %dma_start3A_21] : memref<4x80x64xf32, #tpu.memory_space<vmem>> -> memref<1x80x64xf32, #tpu.memory_space<vmem>>
    %dma_start3A_23 = tpu.memref_squeeze %dma_start3A_22 : memref<1x80x64xf32, #tpu.memory_space<vmem>> -> memref<80x64xf32, #tpu.memory_space<vmem>>
    %dma_start3A_24 = arith.constant 0 : i32
    %dma_start3A_25 = tpu.memref_slice %arg10[%rem3A_15, %rem3A_18, %dma_start3A_24] : memref<2x10x80xi32, #tpu.memory_space<vmem>> -> memref<1x1x80xi32, #tpu.memory_space<vmem>>
    %dma_start3A_26 = tpu.memref_squeeze %dma_start3A_25 : memref<1x1x80xi32, #tpu.memory_space<vmem>> -> memref<80xi32, #tpu.memory_space<vmem>>
    %dma_start3A_27 = arith.constant 0 : i32
    %dma_start3A_28 = arith.constant 0 : i32
    %dma_start3A_29 = tpu.memref_slice %arg4[%arg0, %dma_start3A_27, %dma_start3A_28] : memref<2x10000x64xf32, #tpu.memory_space<hbm>> -> memref<1x10000x64xf32, #tpu.memory_space<hbm>>
    %dma_start3A_30 = tpu.memref_squeeze %dma_start3A_29 : memref<1x10000x64xf32, #tpu.memory_space<hbm>> -> memref<10000x64xf32, #tpu.memory_space<hbm>>
    %dma_start3A_31 = arith.constant 0 : i32
    %dma_start3A_32 = arith.constant 0 : i32
    %dma_start3A_33 = tpu.memref_slice %dma_start3A_30[%dma_start3A_31, %dma_start3A_32] : memref<10000x64xf32, #tpu.memory_space<hbm>> -> memref<10000x64xf32, #tpu.memory_space<hbm>>
    %dma_start3A_34 = tpu.memref_slice %arg17[%dma_start3A_19] : memref<4x!tpu.dma_semaphore, #tpu.memory_space<semaphore_mem>> -> memref<1x!tpu.dma_semaphore, #tpu.memory_space<semaphore_mem>>
    %dma_start3A_35 = tpu.memref_squeeze %dma_start3A_34 : memref<1x!tpu.dma_semaphore, #tpu.memory_space<semaphore_mem>> -> memref<!tpu.dma_semaphore, #tpu.memory_space<semaphore_mem>>
    tpu.enqueue_indirect_dma source(%dma_start3A_33 : memref<10000x64xf32, #tpu.memory_space<hbm>>) target(%dma_start3A_23 : memref<80x64xf32, #tpu.memory_space<vmem>>) offsets(%dma_start3A_26 : memref<80xi32, #tpu.memory_space<vmem>>) semaphore(%dma_start3A_35 : memref<!tpu.dma_semaphore, #tpu.memory_space<semaphore_mem>>)
    %rem3A_36 = arith.constant 0 : i32
    %rem3A_37 = arith.constant 2 : i32
    %rem3A_38 = arith.remsi %rem3A_36, %rem3A_37 : i32
    %rem3A_39 = arith.constant 0 : i32
    %rem3A_40 = arith.constant 10 : i32
    %rem3A_41 = arith.remsi %rem3A_39, %rem3A_40 : i32
    %dma_start3A_42 = arith.constant 0 : i32
    %dma_start3A_43 = arith.constant 0 : i32
    %dma_start3A_44 = arith.constant 0 : i32
    %dma_start3A_45 = tpu.memref_slice %arg13[%dma_start3A_42, %dma_start3A_44] : memref<4x80xf32, #tpu.memory_space<vmem>> -> memref<1x80xf32, #tpu.memory_space<vmem>>
    %dma_start3A_46 = tpu.memref_squeeze %dma_start3A_45 : memref<1x80xf32, #tpu.memory_space<vmem>> -> memref<80xf32, #tpu.memory_space<vmem>>
    %dma_start3A_47 = arith.constant 0 : i32
    %dma_start3A_48 = tpu.memref_slice %arg11[%rem3A_38, %rem3A_41, %dma_start3A_47] : memref<2x10x80xi32, #tpu.memory_space<vmem>> -> memref<1x1x80xi32, #tpu.memory_space<vmem>>
    %dma_start3A_49 = tpu.memref_squeeze %dma_start3A_48 : memref<1x1x80xi32, #tpu.memory_space<vmem>> -> memref<80xi32, #tpu.memory_space<vmem>>
    %dma_start3A_50 = arith.constant 0 : i32
    %dma_start3A_51 = tpu.memref_slice %arg16[%dma_start3A_50] : memref<10000xf32, #tpu.memory_space<vmem_shared>> -> memref<10000xf32, #tpu.memory_space<vmem_shared>>
    %dma_start3A_52 = tpu.memref_slice %arg18[%dma_start3A_43] : memref<4x!tpu.dma_semaphore, #tpu.memory_space<semaphore_mem>> -> memref<1x!tpu.dma_semaphore, #tpu.memory_space<semaphore_mem>>
    %dma_start3A_53 = tpu.memref_squeeze %dma_start3A_52 : memref<1x!tpu.dma_semaphore, #tpu.memory_space<semaphore_mem>> -> memref<!tpu.dma_semaphore, #tpu.memory_space<semaphore_mem>>
    tpu.enqueue_indirect_dma source(%dma_start3A_51 : memref<10000xf32, #tpu.memory_space<vmem_shared>>) target(%dma_start3A_46 : memref<80xf32, #tpu.memory_space<vmem>>) offsets(%dma_start3A_49 : memref<80xi32, #tpu.memory_space<vmem>>) semaphore(%dma_start3A_53 : memref<!tpu.dma_semaphore, #tpu.memory_space<semaphore_mem>>)
    %scan3A = arith.constant 0 : i32
    %scan3A_54 = arith.constant 0 : i32
    %scan3A_55 = arith.constant 250 : i32
    %scan3A_56 = arith.addi %scan3A_54, %scan3A_55 : i32
    %scan3A_57 = arith.constant 1 : i32
    scf.for %scan3A_81 = %scan3A_54 to %scan3A_56 step %scan3A_57  : i32 {
      %rem3A_82 = arith.constant 4 : i32
      %rem3A_83 = arith.remsi %scan3A_81, %rem3A_82 : i32
      %add3A = arith.constant 1 : i32
      %add3A_84 = arith.addi %scan3A_81, %add3A : i32
      %rem3A_85 = arith.constant 4 : i32
      %rem3A_86 = arith.remsi %add3A_84, %rem3A_85 : i32
      %jit3A = arith.constant 10 : i32
      %div3A = arith.divsi %scan3A_81, %jit3A : i32
      %sign3A = arith.constant 0 : i32
      %sign3A_87 = arith.cmpi sgt, %scan3A_81, %sign3A : i32
      %sign3A_88 = arith.extui %sign3A_87 : i1 to i32
      %sign3A_89 = arith.constant 0 : i32
      %sign3A_90 = arith.cmpi slt, %scan3A_81, %sign3A_89 : i32
      %sign3A_91 = arith.extui %sign3A_90 : i1 to i32
      %sign3A_92 = arith.subi %sign3A_88, %sign3A_91 : i32
      %sign3A_93 = arith.constant 0 : i32
      %sign3A_94 = arith.cmpi sgt, %jit3A, %sign3A_93 : i32
      %sign3A_95 = arith.extui %sign3A_94 : i1 to i32
      %sign3A_96 = arith.constant 0 : i32
      %sign3A_97 = arith.cmpi slt, %jit3A, %sign3A_96 : i32
      %sign3A_98 = arith.extui %sign3A_97 : i1 to i32
      %sign3A_99 = arith.subi %sign3A_95, %sign3A_98 : i32
      %ne3A = arith.cmpi ne, %sign3A_92, %sign3A_99 : i32
      %rem3A_100 = arith.remsi %scan3A_81, %jit3A : i32
      %ne3A_101 = arith.constant 0 : i32
      %ne3A_102 = arith.cmpi ne, %rem3A_100, %ne3A_101 : i32
      %and3A = arith.andi %ne3A, %ne3A_102 : i1
      %sub3A = arith.constant 1 : i32
      %sub3A_103 = arith.subi %div3A, %sub3A : i32
      %select_n3A = arith.select %and3A, %sub3A_103, %div3A : i32
      %rem3A_104 = arith.constant 10 : i32
      %rem3A_105 = arith.remsi %scan3A_81, %rem3A_104 : i32
      %ge3A = arith.constant 3 : i32
      %ge3A_106 = arith.cmpi sge, %scan3A_81, %ge3A : i32
      %convert_element_type3A_107 = arith.extui %ge3A_106 : i1 to i32
      %cond3A_108 = arith.constant 0 : i32
      %cond3A_109 = arith.cmpi ne, %convert_element_type3A_107, %cond3A_108 : i32
      scf.if %cond3A_109 {
        %sub3A_296 = arith.constant 3 : i32
        %sub3A_297 = arith.subi %scan3A_81, %sub3A_296 : i32
        %jit3A_298 = arith.constant 10 : i32
        %div3A_299 = arith.divsi %sub3A_297, %jit3A_298 : i32
        %sign3A_300 = arith.constant 0 : i32
        %sign3A_301 = arith.cmpi sgt, %sub3A_297, %sign3A_300 : i32
        %sign3A_302 = arith.extui %sign3A_301 : i1 to i32
        %sign3A_303 = arith.constant 0 : i32
        %sign3A_304 = arith.cmpi slt, %sub3A_297, %sign3A_303 : i32
        %sign3A_305 = arith.extui %sign3A_304 : i1 to i32
        %sign3A_306 = arith.subi %sign3A_302, %sign3A_305 : i32
        %sign3A_307 = arith.constant 0 : i32
        %sign3A_308 = arith.cmpi sgt, %jit3A_298, %sign3A_307 : i32
        %sign3A_309 = arith.extui %sign3A_308 : i1 to i32
        %sign3A_310 = arith.constant 0 : i32
        %sign3A_311 = arith.cmpi slt, %jit3A_298, %sign3A_310 : i32
        %sign3A_312 = arith.extui %sign3A_311 : i1 to i32
        %sign3A_313 = arith.subi %sign3A_309, %sign3A_312 : i32
        %ne3A_314 = arith.cmpi ne, %sign3A_306, %sign3A_313 : i32
        %rem3A_315 = arith.remsi %sub3A_297, %jit3A_298 : i32
        %ne3A_316 = arith.constant 0 : i32
        %ne3A_317 = arith.cmpi ne, %rem3A_315, %ne3A_316 : i32
        %and3A_318 = arith.andi %ne3A_314, %ne3A_317 : i1
        %sub3A_319 = arith.constant 1 : i32
        %sub3A_320 = arith.subi %div3A_299, %sub3A_319 : i32
        %select_n3A_321 = arith.select %and3A_318, %sub3A_320, %div3A_299 : i32
        %rem3A_322 = arith.constant 2 : i32
        %rem3A_323 = arith.remsi %select_n3A_321, %rem3A_322 : i32
        %rem3A_324 = arith.constant 10 : i32
        %rem3A_325 = arith.remsi %sub3A_297, %rem3A_324 : i32
        %dma_wait3A_326 = arith.constant 0 : i32
        %dma_wait3A_327 = arith.constant 0 : i32
        %dma_wait3A_328 = tpu.memref_slice %arg12[%rem3A_86, %dma_wait3A_326, %dma_wait3A_327] : memref<4x80x64xf32, #tpu.memory_space<vmem>> -> memref<1x80x64xf32, #tpu.memory_space<vmem>>
        %dma_wait3A_329 = tpu.memref_squeeze %dma_wait3A_328 : memref<1x80x64xf32, #tpu.memory_space<vmem>> -> memref<80x64xf32, #tpu.memory_space<vmem>>
        %dma_wait3A_330 = arith.constant 0 : i32
        %dma_wait3A_331 = tpu.memref_slice %arg11[%rem3A_323, %rem3A_325, %dma_wait3A_330] : memref<2x10x80xi32, #tpu.memory_space<vmem>> -> memref<1x1x80xi32, #tpu.memory_space<vmem>>
        %dma_wait3A_332 = tpu.memref_squeeze %dma_wait3A_331 : memref<1x1x80xi32, #tpu.memory_space<vmem>> -> memref<80xi32, #tpu.memory_space<vmem>>
        %dma_wait3A_333 = arith.constant 0 : i32
        %dma_wait3A_334 = arith.constant 0 : i32
        %dma_wait3A_335 = tpu.memref_slice %arg14[%dma_wait3A_333, %dma_wait3A_334] : memref<10000x64xf32, #tpu.memory_space<vmem_shared>> -> memref<10000x64xf32, #tpu.memory_space<vmem_shared>>
        %dma_wait3A_336 = tpu.memref_slice %arg19[%rem3A_86] : memref<4x!tpu.dma_semaphore, #tpu.memory_space<semaphore_mem>> -> memref<1x!tpu.dma_semaphore, #tpu.memory_space<semaphore_mem>>
        %dma_wait3A_337 = tpu.memref_squeeze %dma_wait3A_336 : memref<1x!tpu.dma_semaphore, #tpu.memory_space<semaphore_mem>> -> memref<!tpu.dma_semaphore, #tpu.memory_space<semaphore_mem>>
        tpu.wait_indirect_dma semaphore(%dma_wait3A_337 : memref<!tpu.dma_semaphore, #tpu.memory_space<semaphore_mem>>) src(%dma_wait3A_329 : memref<80x64xf32, #tpu.memory_space<vmem>>) dst(%dma_wait3A_335 : memref<10000x64xf32, #tpu.memory_space<vmem_shared>>)
        %jit3A_338 = arith.constant 10 : i32
        %div3A_339 = arith.divsi %sub3A_297, %jit3A_338 : i32
        %sign3A_340 = arith.constant 0 : i32
        %sign3A_341 = arith.cmpi sgt, %sub3A_297, %sign3A_340 : i32
        %sign3A_342 = arith.extui %sign3A_341 : i1 to i32
        %sign3A_343 = arith.constant 0 : i32
        %sign3A_344 = arith.cmpi slt, %sub3A_297, %sign3A_343 : i32
        %sign3A_345 = arith.extui %sign3A_344 : i1 to i32
        %sign3A_346 = arith.subi %sign3A_342, %sign3A_345 : i32
        %sign3A_347 = arith.constant 0 : i32
        %sign3A_348 = arith.cmpi sgt, %jit3A_338, %sign3A_347 : i32
        %sign3A_349 = arith.extui %sign3A_348 : i1 to i32
        %sign3A_350 = arith.constant 0 : i32
        %sign3A_351 = arith.cmpi slt, %jit3A_338, %sign3A_350 : i32
        %sign3A_352 = arith.extui %sign3A_351 : i1 to i32
        %sign3A_353 = arith.subi %sign3A_349, %sign3A_352 : i32
        %ne3A_354 = arith.cmpi ne, %sign3A_346, %sign3A_353 : i32
        %rem3A_355 = arith.remsi %sub3A_297, %jit3A_338 : i32
        %ne3A_356 = arith.constant 0 : i32
        %ne3A_357 = arith.cmpi ne, %rem3A_355, %ne3A_356 : i32
        %and3A_358 = arith.andi %ne3A_354, %ne3A_357 : i1
        %sub3A_359 = arith.constant 1 : i32
        %sub3A_360 = arith.subi %div3A_339, %sub3A_359 : i32
        %select_n3A_361 = arith.select %and3A_358, %sub3A_360, %div3A_339 : i32
        %rem3A_362 = arith.constant 2 : i32
        %rem3A_363 = arith.remsi %select_n3A_361, %rem3A_362 : i32
        %rem3A_364 = arith.constant 10 : i32
        %rem3A_365 = arith.remsi %sub3A_297, %rem3A_364 : i32
        %dma_wait3A_366 = arith.constant 0 : i32
        %dma_wait3A_367 = tpu.memref_slice %arg13[%rem3A_86, %dma_wait3A_366] : memref<4x80xf32, #tpu.memory_space<vmem>> -> memref<1x80xf32, #tpu.memory_space<vmem>>
        %dma_wait3A_368 = tpu.memref_squeeze %dma_wait3A_367 : memref<1x80xf32, #tpu.memory_space<vmem>> -> memref<80xf32, #tpu.memory_space<vmem>>
        %dma_wait3A_369 = arith.constant 0 : i32
        %dma_wait3A_370 = tpu.memref_slice %arg10[%rem3A_363, %rem3A_365, %dma_wait3A_369] : memref<2x10x80xi32, #tpu.memory_space<vmem>> -> memref<1x1x80xi32, #tpu.memory_space<vmem>>
        %dma_wait3A_371 = tpu.memref_squeeze %dma_wait3A_370 : memref<1x1x80xi32, #tpu.memory_space<vmem>> -> memref<80xi32, #tpu.memory_space<vmem>>
        %dma_wait3A_372 = arith.constant 0 : i32
        %dma_wait3A_373 = tpu.memref_slice %arg15[%dma_wait3A_372] : memref<10000xf32, #tpu.memory_space<vmem_shared>> -> memref<10000xf32, #tpu.memory_space<vmem_shared>>
        %dma_wait3A_374 = tpu.memref_slice %arg20[%rem3A_86] : memref<4x!tpu.dma_semaphore, #tpu.memory_space<semaphore_mem>> -> memref<1x!tpu.dma_semaphore, #tpu.memory_space<semaphore_mem>>
        %dma_wait3A_375 = tpu.memref_squeeze %dma_wait3A_374 : memref<1x!tpu.dma_semaphore, #tpu.memory_space<semaphore_mem>> -> memref<!tpu.dma_semaphore, #tpu.memory_space<semaphore_mem>>
        tpu.wait_indirect_dma semaphore(%dma_wait3A_375 : memref<!tpu.dma_semaphore, #tpu.memory_space<semaphore_mem>>) src(%dma_wait3A_368 : memref<80xf32, #tpu.memory_space<vmem>>) dst(%dma_wait3A_373 : memref<10000xf32, #tpu.memory_space<vmem_shared>>)
      } else {
      }
      %eq3A_110 = arith.constant 3 : i32
      %eq3A_111 = arith.cmpi eq, %rem3A_105, %eq3A_110 : i32
      %add3A_112 = arith.constant 1 : i32
      %add3A_113 = arith.addi %select_n3A, %add3A_112 : i32
      %lt3A_114 = arith.constant 25 : i32
      %lt3A_115 = arith.cmpi slt, %add3A_113, %lt3A_114 : i32
      %and3A_116 = arith.andi %eq3A_111, %lt3A_115 : i1
      %convert_element_type3A_117 = arith.extui %and3A_116 : i1 to i32
      %cond3A_118 = arith.constant 0 : i32
      %cond3A_119 = arith.cmpi ne, %convert_element_type3A_117, %cond3A_118 : i32
      scf.if %cond3A_119 {
        %add3A_296 = arith.constant 1 : i32
        %add3A_297 = arith.addi %select_n3A, %add3A_296 : i32
        %add3A_298 = arith.constant 1 : i32
        %add3A_299 = arith.addi %select_n3A, %add3A_298 : i32
        %rem3A_300 = arith.constant 2 : i32
        %rem3A_301 = arith.remsi %add3A_299, %rem3A_300 : i32
        %dma_start3A_302 = arith.constant 0 : i32
        %dma_start3A_303 = arith.constant 0 : i32
        %dma_start3A_304 = tpu.memref_slice %arg10[%rem3A_301, %dma_start3A_302, %dma_start3A_303] : memref<2x10x80xi32, #tpu.memory_space<vmem>> -> memref<1x10x80xi32, #tpu.memory_space<vmem>>
        %dma_start3A_305 = tpu.memref_squeeze %dma_start3A_304 : memref<1x10x80xi32, #tpu.memory_space<vmem>> -> memref<10x80xi32, #tpu.memory_space<vmem>>
        %dma_start3A_306 = arith.constant 0 : i32
        %dma_start3A_307 = arith.constant 0 : i32
        %dma_start3A_308 = tpu.memref_slice %arg2[%arg1, %add3A_297, %dma_start3A_306, %dma_start3A_307] : memref<16x25x10x80xi32, #tpu.memory_space<hbm>> -> memref<1x1x10x80xi32, #tpu.memory_space<hbm>>
        %dma_start3A_309 = tpu.memref_squeeze %dma_start3A_308 : memref<1x1x10x80xi32, #tpu.memory_space<hbm>> -> memref<10x80xi32, #tpu.memory_space<hbm>>
        %dma_start3A_310 = arith.constant 0 : i32
        %dma_start3A_311 = arith.constant 0 : i32
        %dma_start3A_312 = tpu.memref_slice %arg10[%rem3A_301, %dma_start3A_310, %dma_start3A_311] : memref<2x10x80xi32, #tpu.memory_space<vmem>> -> memref<1x10x80xi32, #tpu.memory_space<vmem>>
        %dma_start3A_313 = tpu.memref_squeeze %dma_start3A_312 : memref<1x10x80xi32, #tpu.memory_space<vmem>> -> memref<10x80xi32, #tpu.memory_space<vmem>>
        %dma_start3A_314 = arith.constant 0 : i32
        %dma_start3A_315 = arith.constant 0 : i32
        %dma_start3A_316 = tpu.memref_slice %arg2[%arg1, %add3A_297, %dma_start3A_314, %dma_start3A_315] : memref<16x25x10x80xi32, #tpu.memory_space<hbm>> -> memref<1x1x10x80xi32, #tpu.memory_space<hbm>>
        %dma_start3A_317 = tpu.memref_squeeze %dma_start3A_316 : memref<1x1x10x80xi32, #tpu.memory_space<hbm>> -> memref<10x80xi32, #tpu.memory_space<hbm>>
        tpu.enqueue_dma source(%dma_start3A_317 : memref<10x80xi32, #tpu.memory_space<hbm>>) target(%dma_start3A_313 : memref<10x80xi32, #tpu.memory_space<vmem>>) target_semaphore(%arg21 : memref<!tpu.dma_semaphore, #tpu.memory_space<semaphore_mem>>)
        %add3A_318 = arith.constant 1 : i32
        %add3A_319 = arith.addi %select_n3A, %add3A_318 : i32
        %add3A_320 = arith.constant 1 : i32
        %add3A_321 = arith.addi %select_n3A, %add3A_320 : i32
        %rem3A_322 = arith.constant 2 : i32
        %rem3A_323 = arith.remsi %add3A_321, %rem3A_322 : i32
        %dma_start3A_324 = arith.constant 0 : i32
        %dma_start3A_325 = arith.constant 0 : i32
        %dma_start3A_326 = tpu.memref_slice %arg11[%rem3A_323, %dma_start3A_324, %dma_start3A_325] : memref<2x10x80xi32, #tpu.memory_space<vmem>> -> memref<1x10x80xi32, #tpu.memory_space<vmem>>
        %dma_start3A_327 = tpu.memref_squeeze %dma_start3A_326 : memref<1x10x80xi32, #tpu.memory_space<vmem>> -> memref<10x80xi32, #tpu.memory_space<vmem>>
        %dma_start3A_328 = arith.constant 0 : i32
        %dma_start3A_329 = arith.constant 0 : i32
        %dma_start3A_330 = tpu.memref_slice %arg3[%arg1, %add3A_319, %dma_start3A_328, %dma_start3A_329] : memref<16x25x10x80xi32, #tpu.memory_space<hbm>> -> memref<1x1x10x80xi32, #tpu.memory_space<hbm>>
        %dma_start3A_331 = tpu.memref_squeeze %dma_start3A_330 : memref<1x1x10x80xi32, #tpu.memory_space<hbm>> -> memref<10x80xi32, #tpu.memory_space<hbm>>
        %dma_start3A_332 = arith.constant 0 : i32
        %dma_start3A_333 = arith.constant 0 : i32
        %dma_start3A_334 = tpu.memref_slice %arg11[%rem3A_323, %dma_start3A_332, %dma_start3A_333] : memref<2x10x80xi32, #tpu.memory_space<vmem>> -> memref<1x10x80xi32, #tpu.memory_space<vmem>>
        %dma_start3A_335 = tpu.memref_squeeze %dma_start3A_334 : memref<1x10x80xi32, #tpu.memory_space<vmem>> -> memref<10x80xi32, #tpu.memory_space<vmem>>
        %dma_start3A_336 = arith.constant 0 : i32
        %dma_start3A_337 = arith.constant 0 : i32
        %dma_start3A_338 = tpu.memref_slice %arg3[%arg1, %add3A_319, %dma_start3A_336, %dma_start3A_337] : memref<16x25x10x80xi32, #tpu.memory_space<hbm>> -> memref<1x1x10x80xi32, #tpu.memory_space<hbm>>
        %dma_start3A_339 = tpu.memref_squeeze %dma_start3A_338 : memref<1x1x10x80xi32, #tpu.memory_space<hbm>> -> memref<10x80xi32, #tpu.memory_space<hbm>>
        tpu.enqueue_dma source(%dma_start3A_339 : memref<10x80xi32, #tpu.memory_space<hbm>>) target(%dma_start3A_335 : memref<10x80xi32, #tpu.memory_space<vmem>>) target_semaphore(%arg22 : memref<!tpu.dma_semaphore, #tpu.memory_space<semaphore_mem>>)
      } else {
      }
      %eq3A_120 = arith.constant 9 : i32
      %eq3A_121 = arith.cmpi eq, %rem3A_105, %eq3A_120 : i32
      %add3A_122 = arith.constant 1 : i32
      %add3A_123 = arith.addi %select_n3A, %add3A_122 : i32
      %lt3A_124 = arith.constant 25 : i32
      %lt3A_125 = arith.cmpi slt, %add3A_123, %lt3A_124 : i32
      %and3A_126 = arith.andi %eq3A_121, %lt3A_125 : i1
      %convert_element_type3A_127 = arith.extui %and3A_126 : i1 to i32
      %cond3A_128 = arith.constant 0 : i32
      %cond3A_129 = arith.cmpi ne, %convert_element_type3A_127, %cond3A_128 : i32
      scf.if %cond3A_129 {
        %add3A_296 = arith.constant 1 : i32
        %add3A_297 = arith.addi %select_n3A, %add3A_296 : i32
        %rem3A_298 = arith.constant 2 : i32
        %rem3A_299 = arith.remsi %add3A_297, %rem3A_298 : i32
        %dma_wait3A_300 = arith.constant 0 : i32
        %dma_wait3A_301 = arith.constant 0 : i32
        %dma_wait3A_302 = arith.constant 0 : i32
        %dma_wait3A_303 = tpu.memref_slice %arg10[%rem3A_299, %dma_wait3A_301, %dma_wait3A_302] : memref<2x10x80xi32, #tpu.memory_space<vmem>> -> memref<1x10x80xi32, #tpu.memory_space<vmem>>
        %dma_wait3A_304 = tpu.memref_squeeze %dma_wait3A_303 : memref<1x10x80xi32, #tpu.memory_space<vmem>> -> memref<10x80xi32, #tpu.memory_space<vmem>>
        %dma_wait3A_305 = arith.constant 0 : i32
        %dma_wait3A_306 = arith.constant 0 : i32
        %dma_wait3A_307 = tpu.memref_slice %arg2[%arg1, %dma_wait3A_300, %dma_wait3A_305, %dma_wait3A_306] : memref<16x25x10x80xi32, #tpu.memory_space<hbm>> -> memref<1x1x10x80xi32, #tpu.memory_space<hbm>>
        %dma_wait3A_308 = tpu.memref_squeeze %dma_wait3A_307 : memref<1x1x10x80xi32, #tpu.memory_space<hbm>> -> memref<10x80xi32, #tpu.memory_space<hbm>>
        %dma_wait3A_309 = arith.constant 0 : i32
        %dma_wait3A_310 = arith.constant 0 : i32
        %dma_wait3A_311 = tpu.memref_slice %arg10[%rem3A_299, %dma_wait3A_309, %dma_wait3A_310] : memref<2x10x80xi32, #tpu.memory_space<vmem>> -> memref<1x10x80xi32, #tpu.memory_space<vmem>>
        %dma_wait3A_312 = tpu.memref_squeeze %dma_wait3A_311 : memref<1x10x80xi32, #tpu.memory_space<vmem>> -> memref<10x80xi32, #tpu.memory_space<vmem>>
        %dma_wait3A_313 = arith.constant 0 : i32
        %dma_wait3A_314 = arith.constant 0 : i32
        %dma_wait3A_315 = tpu.memref_slice %arg2[%arg1, %dma_wait3A_300, %dma_wait3A_313, %dma_wait3A_314] : memref<16x25x10x80xi32, #tpu.memory_space<hbm>> -> memref<1x1x10x80xi32, #tpu.memory_space<hbm>>
        %dma_wait3A_316 = tpu.memref_squeeze %dma_wait3A_315 : memref<1x1x10x80xi32, #tpu.memory_space<hbm>> -> memref<10x80xi32, #tpu.memory_space<hbm>>
        tpu.wait_dma2 semaphore(%arg21 : memref<!tpu.dma_semaphore, #tpu.memory_space<semaphore_mem>>) src(%dma_wait3A_316 : memref<10x80xi32, #tpu.memory_space<hbm>>) dst(%dma_wait3A_312 : memref<10x80xi32, #tpu.memory_space<vmem>>)
        %add3A_317 = arith.constant 1 : i32
        %add3A_318 = arith.addi %select_n3A, %add3A_317 : i32
        %rem3A_319 = arith.constant 2 : i32
        %rem3A_320 = arith.remsi %add3A_318, %rem3A_319 : i32
        %dma_wait3A_321 = arith.constant 0 : i32
        %dma_wait3A_322 = arith.constant 0 : i32
        %dma_wait3A_323 = arith.constant 0 : i32
        %dma_wait3A_324 = tpu.memref_slice %arg11[%rem3A_320, %dma_wait3A_322, %dma_wait3A_323] : memref<2x10x80xi32, #tpu.memory_space<vmem>> -> memref<1x10x80xi32, #tpu.memory_space<vmem>>
        %dma_wait3A_325 = tpu.memref_squeeze %dma_wait3A_324 : memref<1x10x80xi32, #tpu.memory_space<vmem>> -> memref<10x80xi32, #tpu.memory_space<vmem>>
        %dma_wait3A_326 = arith.constant 0 : i32
        %dma_wait3A_327 = arith.constant 0 : i32
        %dma_wait3A_328 = tpu.memref_slice %arg3[%arg1, %dma_wait3A_321, %dma_wait3A_326, %dma_wait3A_327] : memref<16x25x10x80xi32, #tpu.memory_space<hbm>> -> memref<1x1x10x80xi32, #tpu.memory_space<hbm>>
        %dma_wait3A_329 = tpu.memref_squeeze %dma_wait3A_328 : memref<1x1x10x80xi32, #tpu.memory_space<hbm>> -> memref<10x80xi32, #tpu.memory_space<hbm>>
        %dma_wait3A_330 = arith.constant 0 : i32
        %dma_wait3A_331 = arith.constant 0 : i32
        %dma_wait3A_332 = tpu.memref_slice %arg11[%rem3A_320, %dma_wait3A_330, %dma_wait3A_331] : memref<2x10x80xi32, #tpu.memory_space<vmem>> -> memref<1x10x80xi32, #tpu.memory_space<vmem>>
        %dma_wait3A_333 = tpu.memref_squeeze %dma_wait3A_332 : memref<1x10x80xi32, #tpu.memory_space<vmem>> -> memref<10x80xi32, #tpu.memory_space<vmem>>
        %dma_wait3A_334 = arith.constant 0 : i32
        %dma_wait3A_335 = arith.constant 0 : i32
        %dma_wait3A_336 = tpu.memref_slice %arg3[%arg1, %dma_wait3A_321, %dma_wait3A_334, %dma_wait3A_335] : memref<16x25x10x80xi32, #tpu.memory_space<hbm>> -> memref<1x1x10x80xi32, #tpu.memory_space<hbm>>
        %dma_wait3A_337 = tpu.memref_squeeze %dma_wait3A_336 : memref<1x1x10x80xi32, #tpu.memory_space<hbm>> -> memref<10x80xi32, #tpu.memory_space<hbm>>
        tpu.wait_dma2 semaphore(%arg22 : memref<!tpu.dma_semaphore, #tpu.memory_space<semaphore_mem>>) src(%dma_wait3A_337 : memref<10x80xi32, #tpu.memory_space<hbm>>) dst(%dma_wait3A_333 : memref<10x80xi32, #tpu.memory_space<vmem>>)
      } else {
      }
      %add3A_130 = arith.constant 1 : i32
      %add3A_131 = arith.addi %scan3A_81, %add3A_130 : i32
      %lt3A_132 = arith.constant 250 : i32
      %lt3A_133 = arith.cmpi slt, %add3A_131, %lt3A_132 : i32
      %convert_element_type3A_134 = arith.extui %lt3A_133 : i1 to i32
      %cond3A_135 = arith.constant 0 : i32
      %cond3A_136 = arith.cmpi ne, %convert_element_type3A_134, %cond3A_135 : i32
      scf.if %cond3A_136 {
        %add3A_296 = arith.constant 1 : i32
        %add3A_297 = arith.addi %scan3A_81, %add3A_296 : i32
        %jit3A_298 = arith.constant 10 : i32
        %div3A_299 = arith.divsi %add3A_297, %jit3A_298 : i32
        %sign3A_300 = arith.constant 0 : i32
        %sign3A_301 = arith.cmpi sgt, %add3A_297, %sign3A_300 : i32
        %sign3A_302 = arith.extui %sign3A_301 : i1 to i32
        %sign3A_303 = arith.constant 0 : i32
        %sign3A_304 = arith.cmpi slt, %add3A_297, %sign3A_303 : i32
        %sign3A_305 = arith.extui %sign3A_304 : i1 to i32
        %sign3A_306 = arith.subi %sign3A_302, %sign3A_305 : i32
        %sign3A_307 = arith.constant 0 : i32
        %sign3A_308 = arith.cmpi sgt, %jit3A_298, %sign3A_307 : i32
        %sign3A_309 = arith.extui %sign3A_308 : i1 to i32
        %sign3A_310 = arith.constant 0 : i32
        %sign3A_311 = arith.cmpi slt, %jit3A_298, %sign3A_310 : i32
        %sign3A_312 = arith.extui %sign3A_311 : i1 to i32
        %sign3A_313 = arith.subi %sign3A_309, %sign3A_312 : i32
        %ne3A_314 = arith.cmpi ne, %sign3A_306, %sign3A_313 : i32
        %rem3A_315 = arith.remsi %add3A_297, %jit3A_298 : i32
        %ne3A_316 = arith.constant 0 : i32
        %ne3A_317 = arith.cmpi ne, %rem3A_315, %ne3A_316 : i32
        %and3A_318 = arith.andi %ne3A_314, %ne3A_317 : i1
        %sub3A_319 = arith.constant 1 : i32
        %sub3A_320 = arith.subi %div3A_299, %sub3A_319 : i32
        %select_n3A_321 = arith.select %and3A_318, %sub3A_320, %div3A_299 : i32
        %rem3A_322 = arith.constant 2 : i32
        %rem3A_323 = arith.remsi %select_n3A_321, %rem3A_322 : i32
        %rem3A_324 = arith.constant 10 : i32
        %rem3A_325 = arith.remsi %add3A_297, %rem3A_324 : i32
        %dma_start3A_326 = arith.constant 0 : i32
        %dma_start3A_327 = arith.constant 0 : i32
        %dma_start3A_328 = tpu.memref_slice %arg12[%rem3A_86, %dma_start3A_326, %dma_start3A_327] : memref<4x80x64xf32, #tpu.memory_space<vmem>> -> memref<1x80x64xf32, #tpu.memory_space<vmem>>
        %dma_start3A_329 = tpu.memref_squeeze %dma_start3A_328 : memref<1x80x64xf32, #tpu.memory_space<vmem>> -> memref<80x64xf32, #tpu.memory_space<vmem>>
        %dma_start3A_330 = arith.constant 0 : i32
        %dma_start3A_331 = tpu.memref_slice %arg10[%rem3A_323, %rem3A_325, %dma_start3A_330] : memref<2x10x80xi32, #tpu.memory_space<vmem>> -> memref<1x1x80xi32, #tpu.memory_space<vmem>>
        %dma_start3A_332 = tpu.memref_squeeze %dma_start3A_331 : memref<1x1x80xi32, #tpu.memory_space<vmem>> -> memref<80xi32, #tpu.memory_space<vmem>>
        %dma_start3A_333 = arith.constant 0 : i32
        %dma_start3A_334 = arith.constant 0 : i32
        %dma_start3A_335 = tpu.memref_slice %arg4[%arg0, %dma_start3A_333, %dma_start3A_334] : memref<2x10000x64xf32, #tpu.memory_space<hbm>> -> memref<1x10000x64xf32, #tpu.memory_space<hbm>>
        %dma_start3A_336 = tpu.memref_squeeze %dma_start3A_335 : memref<1x10000x64xf32, #tpu.memory_space<hbm>> -> memref<10000x64xf32, #tpu.memory_space<hbm>>
        %dma_start3A_337 = arith.constant 0 : i32
        %dma_start3A_338 = arith.constant 0 : i32
        %dma_start3A_339 = tpu.memref_slice %dma_start3A_336[%dma_start3A_337, %dma_start3A_338] : memref<10000x64xf32, #tpu.memory_space<hbm>> -> memref<10000x64xf32, #tpu.memory_space<hbm>>
        %dma_start3A_340 = tpu.memref_slice %arg17[%rem3A_86] : memref<4x!tpu.dma_semaphore, #tpu.memory_space<semaphore_mem>> -> memref<1x!tpu.dma_semaphore, #tpu.memory_space<semaphore_mem>>
        %dma_start3A_341 = tpu.memref_squeeze %dma_start3A_340 : memref<1x!tpu.dma_semaphore, #tpu.memory_space<semaphore_mem>> -> memref<!tpu.dma_semaphore, #tpu.memory_space<semaphore_mem>>
        tpu.enqueue_indirect_dma source(%dma_start3A_339 : memref<10000x64xf32, #tpu.memory_space<hbm>>) target(%dma_start3A_329 : memref<80x64xf32, #tpu.memory_space<vmem>>) offsets(%dma_start3A_332 : memref<80xi32, #tpu.memory_space<vmem>>) semaphore(%dma_start3A_341 : memref<!tpu.dma_semaphore, #tpu.memory_space<semaphore_mem>>)
        %jit3A_342 = arith.constant 10 : i32
        %div3A_343 = arith.divsi %add3A_297, %jit3A_342 : i32
        %sign3A_344 = arith.constant 0 : i32
        %sign3A_345 = arith.cmpi sgt, %add3A_297, %sign3A_344 : i32
        %sign3A_346 = arith.extui %sign3A_345 : i1 to i32
        %sign3A_347 = arith.constant 0 : i32
        %sign3A_348 = arith.cmpi slt, %add3A_297, %sign3A_347 : i32
        %sign3A_349 = arith.extui %sign3A_348 : i1 to i32
        %sign3A_350 = arith.subi %sign3A_346, %sign3A_349 : i32
        %sign3A_351 = arith.constant 0 : i32
        %sign3A_352 = arith.cmpi sgt, %jit3A_342, %sign3A_351 : i32
        %sign3A_353 = arith.extui %sign3A_352 : i1 to i32
        %sign3A_354 = arith.constant 0 : i32
        %sign3A_355 = arith.cmpi slt, %jit3A_342, %sign3A_354 : i32
        %sign3A_356 = arith.extui %sign3A_355 : i1 to i32
        %sign3A_357 = arith.subi %sign3A_353, %sign3A_356 : i32
        %ne3A_358 = arith.cmpi ne, %sign3A_350, %sign3A_357 : i32
        %rem3A_359 = arith.remsi %add3A_297, %jit3A_342 : i32
        %ne3A_360 = arith.constant 0 : i32
        %ne3A_361 = arith.cmpi ne, %rem3A_359, %ne3A_360 : i32
        %and3A_362 = arith.andi %ne3A_358, %ne3A_361 : i1
        %sub3A_363 = arith.constant 1 : i32
        %sub3A_364 = arith.subi %div3A_343, %sub3A_363 : i32
        %select_n3A_365 = arith.select %and3A_362, %sub3A_364, %div3A_343 : i32
        %rem3A_366 = arith.constant 2 : i32
        %rem3A_367 = arith.remsi %select_n3A_365, %rem3A_366 : i32
        %rem3A_368 = arith.constant 10 : i32
        %rem3A_369 = arith.remsi %add3A_297, %rem3A_368 : i32
        %dma_start3A_370 = arith.constant 0 : i32
        %dma_start3A_371 = tpu.memref_slice %arg13[%rem3A_86, %dma_start3A_370] : memref<4x80xf32, #tpu.memory_space<vmem>> -> memref<1x80xf32, #tpu.memory_space<vmem>>
        %dma_start3A_372 = tpu.memref_squeeze %dma_start3A_371 : memref<1x80xf32, #tpu.memory_space<vmem>> -> memref<80xf32, #tpu.memory_space<vmem>>
        %dma_start3A_373 = arith.constant 0 : i32
        %dma_start3A_374 = tpu.memref_slice %arg11[%rem3A_367, %rem3A_369, %dma_start3A_373] : memref<2x10x80xi32, #tpu.memory_space<vmem>> -> memref<1x1x80xi32, #tpu.memory_space<vmem>>
        %dma_start3A_375 = tpu.memref_squeeze %dma_start3A_374 : memref<1x1x80xi32, #tpu.memory_space<vmem>> -> memref<80xi32, #tpu.memory_space<vmem>>
        %dma_start3A_376 = arith.constant 0 : i32
        %dma_start3A_377 = tpu.memref_slice %arg16[%dma_start3A_376] : memref<10000xf32, #tpu.memory_space<vmem_shared>> -> memref<10000xf32, #tpu.memory_space<vmem_shared>>
        %dma_start3A_378 = tpu.memref_slice %arg18[%rem3A_86] : memref<4x!tpu.dma_semaphore, #tpu.memory_space<semaphore_mem>> -> memref<1x!tpu.dma_semaphore, #tpu.memory_space<semaphore_mem>>
        %dma_start3A_379 = tpu.memref_squeeze %dma_start3A_378 : memref<1x!tpu.dma_semaphore, #tpu.memory_space<semaphore_mem>> -> memref<!tpu.dma_semaphore, #tpu.memory_space<semaphore_mem>>
        tpu.enqueue_indirect_dma source(%dma_start3A_377 : memref<10000xf32, #tpu.memory_space<vmem_shared>>) target(%dma_start3A_372 : memref<80xf32, #tpu.memory_space<vmem>>) offsets(%dma_start3A_375 : memref<80xi32, #tpu.memory_space<vmem>>) semaphore(%dma_start3A_379 : memref<!tpu.dma_semaphore, #tpu.memory_space<semaphore_mem>>)
      } else {
      }
      %jit3A_137 = arith.constant 10 : i32
      %div3A_138 = arith.divsi %scan3A_81, %jit3A_137 : i32
      %sign3A_139 = arith.constant 0 : i32
      %sign3A_140 = arith.cmpi sgt, %scan3A_81, %sign3A_139 : i32
      %sign3A_141 = arith.extui %sign3A_140 : i1 to i32
      %sign3A_142 = arith.constant 0 : i32
      %sign3A_143 = arith.cmpi slt, %scan3A_81, %sign3A_142 : i32
      %sign3A_144 = arith.extui %sign3A_143 : i1 to i32
      %sign3A_145 = arith.subi %sign3A_141, %sign3A_144 : i32
      %sign3A_146 = arith.constant 0 : i32
      %sign3A_147 = arith.cmpi sgt, %jit3A_137, %sign3A_146 : i32
      %sign3A_148 = arith.extui %sign3A_147 : i1 to i32
      %sign3A_149 = arith.constant 0 : i32
      %sign3A_150 = arith.cmpi slt, %jit3A_137, %sign3A_149 : i32
      %sign3A_151 = arith.extui %sign3A_150 : i1 to i32
      %sign3A_152 = arith.subi %sign3A_148, %sign3A_151 : i32
      %ne3A_153 = arith.cmpi ne, %sign3A_145, %sign3A_152 : i32
      %rem3A_154 = arith.remsi %scan3A_81, %jit3A_137 : i32
      %ne3A_155 = arith.constant 0 : i32
      %ne3A_156 = arith.cmpi ne, %rem3A_154, %ne3A_155 : i32
      %and3A_157 = arith.andi %ne3A_153, %ne3A_156 : i1
      %sub3A_158 = arith.constant 1 : i32
      %sub3A_159 = arith.subi %div3A_138, %sub3A_158 : i32
      %select_n3A_160 = arith.select %and3A_157, %sub3A_159, %div3A_138 : i32
      %rem3A_161 = arith.constant 2 : i32
      %rem3A_162 = arith.remsi %select_n3A_160, %rem3A_161 : i32
      %rem3A_163 = arith.constant 10 : i32
      %rem3A_164 = arith.remsi %scan3A_81, %rem3A_163 : i32
      %dma_wait3A = arith.constant 0 : i32
      %dma_wait3A_165 = arith.constant 0 : i32
      %dma_wait3A_166 = tpu.memref_slice %arg12[%rem3A_83, %dma_wait3A, %dma_wait3A_165] : memref<4x80x64xf32, #tpu.memory_space<vmem>> -> memref<1x80x64xf32, #tpu.memory_space<vmem>>
      %dma_wait3A_167 = tpu.memref_squeeze %dma_wait3A_166 : memref<1x80x64xf32, #tpu.memory_space<vmem>> -> memref<80x64xf32, #tpu.memory_space<vmem>>
      %dma_wait3A_168 = arith.constant 0 : i32
      %dma_wait3A_169 = tpu.memref_slice %arg10[%rem3A_162, %rem3A_164, %dma_wait3A_168] : memref<2x10x80xi32, #tpu.memory_space<vmem>> -> memref<1x1x80xi32, #tpu.memory_space<vmem>>
      %dma_wait3A_170 = tpu.memref_squeeze %dma_wait3A_169 : memref<1x1x80xi32, #tpu.memory_space<vmem>> -> memref<80xi32, #tpu.memory_space<vmem>>
      %dma_wait3A_171 = arith.constant 0 : i32
      %dma_wait3A_172 = arith.constant 0 : i32
      %dma_wait3A_173 = tpu.memref_slice %arg4[%arg0, %dma_wait3A_171, %dma_wait3A_172] : memref<2x10000x64xf32, #tpu.memory_space<hbm>> -> memref<1x10000x64xf32, #tpu.memory_space<hbm>>
      %dma_wait3A_174 = tpu.memref_squeeze %dma_wait3A_173 : memref<1x10000x64xf32, #tpu.memory_space<hbm>> -> memref<10000x64xf32, #tpu.memory_space<hbm>>
      %dma_wait3A_175 = arith.constant 0 : i32
      %dma_wait3A_176 = arith.constant 0 : i32
      %dma_wait3A_177 = tpu.memref_slice %dma_wait3A_174[%dma_wait3A_175, %dma_wait3A_176] : memref<10000x64xf32, #tpu.memory_space<hbm>> -> memref<10000x64xf32, #tpu.memory_space<hbm>>
      %dma_wait3A_178 = tpu.memref_slice %arg17[%rem3A_83] : memref<4x!tpu.dma_semaphore, #tpu.memory_space<semaphore_mem>> -> memref<1x!tpu.dma_semaphore, #tpu.memory_space<semaphore_mem>>
      %dma_wait3A_179 = tpu.memref_squeeze %dma_wait3A_178 : memref<1x!tpu.dma_semaphore, #tpu.memory_space<semaphore_mem>> -> memref<!tpu.dma_semaphore, #tpu.memory_space<semaphore_mem>>
      tpu.wait_indirect_dma semaphore(%dma_wait3A_179 : memref<!tpu.dma_semaphore, #tpu.memory_space<semaphore_mem>>) src(%dma_wait3A_177 : memref<10000x64xf32, #tpu.memory_space<hbm>>) dst(%dma_wait3A_167 : memref<80x64xf32, #tpu.memory_space<vmem>>)
      %jit3A_180 = arith.constant 10 : i32
      %div3A_181 = arith.divsi %scan3A_81, %jit3A_180 : i32
      %sign3A_182 = arith.constant 0 : i32
      %sign3A_183 = arith.cmpi sgt, %scan3A_81, %sign3A_182 : i32
      %sign3A_184 = arith.extui %sign3A_183 : i1 to i32
      %sign3A_185 = arith.constant 0 : i32
      %sign3A_186 = arith.cmpi slt, %scan3A_81, %sign3A_185 : i32
      %sign3A_187 = arith.extui %sign3A_186 : i1 to i32
      %sign3A_188 = arith.subi %sign3A_184, %sign3A_187 : i32
      %sign3A_189 = arith.constant 0 : i32
      %sign3A_190 = arith.cmpi sgt, %jit3A_180, %sign3A_189 : i32
      %sign3A_191 = arith.extui %sign3A_190 : i1 to i32
      %sign3A_192 = arith.constant 0 : i32
      %sign3A_193 = arith.cmpi slt, %jit3A_180, %sign3A_192 : i32
      %sign3A_194 = arith.extui %sign3A_193 : i1 to i32
      %sign3A_195 = arith.subi %sign3A_191, %sign3A_194 : i32
      %ne3A_196 = arith.cmpi ne, %sign3A_188, %sign3A_195 : i32
      %rem3A_197 = arith.remsi %scan3A_81, %jit3A_180 : i32
      %ne3A_198 = arith.constant 0 : i32
      %ne3A_199 = arith.cmpi ne, %rem3A_197, %ne3A_198 : i32
      %and3A_200 = arith.andi %ne3A_196, %ne3A_199 : i1
      %sub3A_201 = arith.constant 1 : i32
      %sub3A_202 = arith.subi %div3A_181, %sub3A_201 : i32
      %select_n3A_203 = arith.select %and3A_200, %sub3A_202, %div3A_181 : i32
      %rem3A_204 = arith.constant 2 : i32
      %rem3A_205 = arith.remsi %select_n3A_203, %rem3A_204 : i32
      %rem3A_206 = arith.constant 10 : i32
      %rem3A_207 = arith.remsi %scan3A_81, %rem3A_206 : i32
      %dma_wait3A_208 = arith.constant 0 : i32
      %dma_wait3A_209 = tpu.memref_slice %arg13[%rem3A_83, %dma_wait3A_208] : memref<4x80xf32, #tpu.memory_space<vmem>> -> memref<1x80xf32, #tpu.memory_space<vmem>>
      %dma_wait3A_210 = tpu.memref_squeeze %dma_wait3A_209 : memref<1x80xf32, #tpu.memory_space<vmem>> -> memref<80xf32, #tpu.memory_space<vmem>>
      %dma_wait3A_211 = arith.constant 0 : i32
      %dma_wait3A_212 = tpu.memref_slice %arg11[%rem3A_205, %rem3A_207, %dma_wait3A_211] : memref<2x10x80xi32, #tpu.memory_space<vmem>> -> memref<1x1x80xi32, #tpu.memory_space<vmem>>
      %dma_wait3A_213 = tpu.memref_squeeze %dma_wait3A_212 : memref<1x1x80xi32, #tpu.memory_space<vmem>> -> memref<80xi32, #tpu.memory_space<vmem>>
      %dma_wait3A_214 = arith.constant 0 : i32
      %dma_wait3A_215 = tpu.memref_slice %arg16[%dma_wait3A_214] : memref<10000xf32, #tpu.memory_space<vmem_shared>> -> memref<10000xf32, #tpu.memory_space<vmem_shared>>
      %dma_wait3A_216 = tpu.memref_slice %arg18[%rem3A_83] : memref<4x!tpu.dma_semaphore, #tpu.memory_space<semaphore_mem>> -> memref<1x!tpu.dma_semaphore, #tpu.memory_space<semaphore_mem>>
      %dma_wait3A_217 = tpu.memref_squeeze %dma_wait3A_216 : memref<1x!tpu.dma_semaphore, #tpu.memory_space<semaphore_mem>> -> memref<!tpu.dma_semaphore, #tpu.memory_space<semaphore_mem>>
      tpu.wait_indirect_dma semaphore(%dma_wait3A_217 : memref<!tpu.dma_semaphore, #tpu.memory_space<semaphore_mem>>) src(%dma_wait3A_215 : memref<10000xf32, #tpu.memory_space<vmem_shared>>) dst(%dma_wait3A_210 : memref<80xf32, #tpu.memory_space<vmem>>)
      %jit3A_218 = arith.constant 10 : i32
      %div3A_219 = arith.divsi %scan3A_81, %jit3A_218 : i32
      %sign3A_220 = arith.constant 0 : i32
      %sign3A_221 = arith.cmpi sgt, %scan3A_81, %sign3A_220 : i32
      %sign3A_222 = arith.extui %sign3A_221 : i1 to i32
      %sign3A_223 = arith.constant 0 : i32
      %sign3A_224 = arith.cmpi slt, %scan3A_81, %sign3A_223 : i32
      %sign3A_225 = arith.extui %sign3A_224 : i1 to i32
      %sign3A_226 = arith.subi %sign3A_222, %sign3A_225 : i32
      %sign3A_227 = arith.constant 0 : i32
      %sign3A_228 = arith.cmpi sgt, %jit3A_218, %sign3A_227 : i32
      %sign3A_229 = arith.extui %sign3A_228 : i1 to i32
      %sign3A_230 = arith.constant 0 : i32
      %sign3A_231 = arith.cmpi slt, %jit3A_218, %sign3A_230 : i32
      %sign3A_232 = arith.extui %sign3A_231 : i1 to i32
      %sign3A_233 = arith.subi %sign3A_229, %sign3A_232 : i32
      %ne3A_234 = arith.cmpi ne, %sign3A_226, %sign3A_233 : i32
      %rem3A_235 = arith.remsi %scan3A_81, %jit3A_218 : i32
      %ne3A_236 = arith.constant 0 : i32
      %ne3A_237 = arith.cmpi ne, %rem3A_235, %ne3A_236 : i32
      %and3A_238 = arith.andi %ne3A_234, %ne3A_237 : i1
      %sub3A_239 = arith.constant 1 : i32
      %sub3A_240 = arith.subi %div3A_219, %sub3A_239 : i32
      %select_n3A_241 = arith.select %and3A_238, %sub3A_240, %div3A_219 : i32
      %rem3A_242 = arith.constant 2 : i32
      %rem3A_243 = arith.remsi %select_n3A_241, %rem3A_242 : i32
      %rem3A_244 = arith.constant 10 : i32
      %rem3A_245 = arith.remsi %scan3A_81, %rem3A_244 : i32
      %dma_start3A_246 = arith.constant 0 : i32
      %dma_start3A_247 = arith.constant 0 : i32
      %dma_start3A_248 = tpu.memref_slice %arg12[%rem3A_83, %dma_start3A_246, %dma_start3A_247] : memref<4x80x64xf32, #tpu.memory_space<vmem>> -> memref<1x80x64xf32, #tpu.memory_space<vmem>>
      %dma_start3A_249 = tpu.memref_squeeze %dma_start3A_248 : memref<1x80x64xf32, #tpu.memory_space<vmem>> -> memref<80x64xf32, #tpu.memory_space<vmem>>
      %dma_start3A_250 = arith.constant 0 : i32
      %dma_start3A_251 = tpu.memref_slice %arg11[%rem3A_243, %rem3A_245, %dma_start3A_250] : memref<2x10x80xi32, #tpu.memory_space<vmem>> -> memref<1x1x80xi32, #tpu.memory_space<vmem>>
      %dma_start3A_252 = tpu.memref_squeeze %dma_start3A_251 : memref<1x1x80xi32, #tpu.memory_space<vmem>> -> memref<80xi32, #tpu.memory_space<vmem>>
      %dma_start3A_253 = arith.constant 0 : i32
      %dma_start3A_254 = arith.constant 0 : i32
      %dma_start3A_255 = tpu.memref_slice %arg14[%dma_start3A_253, %dma_start3A_254] : memref<10000x64xf32, #tpu.memory_space<vmem_shared>> -> memref<10000x64xf32, #tpu.memory_space<vmem_shared>>
      %dma_start3A_256 = tpu.memref_slice %arg19[%rem3A_83] : memref<4x!tpu.dma_semaphore, #tpu.memory_space<semaphore_mem>> -> memref<1x!tpu.dma_semaphore, #tpu.memory_space<semaphore_mem>>
      %dma_start3A_257 = tpu.memref_squeeze %dma_start3A_256 : memref<1x!tpu.dma_semaphore, #tpu.memory_space<semaphore_mem>> -> memref<!tpu.dma_semaphore, #tpu.memory_space<semaphore_mem>>
      tpu.enqueue_indirect_dma source(%dma_start3A_249 : memref<80x64xf32, #tpu.memory_space<vmem>>) target(%dma_start3A_255 : memref<10000x64xf32, #tpu.memory_space<vmem_shared>>) offsets(%dma_start3A_252 : memref<80xi32, #tpu.memory_space<vmem>>) semaphore(%dma_start3A_257 : memref<!tpu.dma_semaphore, #tpu.memory_space<semaphore_mem>>) {add = true}
      %jit3A_258 = arith.constant 10 : i32
      %div3A_259 = arith.divsi %scan3A_81, %jit3A_258 : i32
      %sign3A_260 = arith.constant 0 : i32
      %sign3A_261 = arith.cmpi sgt, %scan3A_81, %sign3A_260 : i32
      %sign3A_262 = arith.extui %sign3A_261 : i1 to i32
      %sign3A_263 = arith.constant 0 : i32
      %sign3A_264 = arith.cmpi slt, %scan3A_81, %sign3A_263 : i32
      %sign3A_265 = arith.extui %sign3A_264 : i1 to i32
      %sign3A_266 = arith.subi %sign3A_262, %sign3A_265 : i32
      %sign3A_267 = arith.constant 0 : i32
      %sign3A_268 = arith.cmpi sgt, %jit3A_258, %sign3A_267 : i32
      %sign3A_269 = arith.extui %sign3A_268 : i1 to i32
      %sign3A_270 = arith.constant 0 : i32
      %sign3A_271 = arith.cmpi slt, %jit3A_258, %sign3A_270 : i32
      %sign3A_272 = arith.extui %sign3A_271 : i1 to i32
      %sign3A_273 = arith.subi %sign3A_269, %sign3A_272 : i32
      %ne3A_274 = arith.cmpi ne, %sign3A_266, %sign3A_273 : i32
      %rem3A_275 = arith.remsi %scan3A_81, %jit3A_258 : i32
      %ne3A_276 = arith.constant 0 : i32
      %ne3A_277 = arith.cmpi ne, %rem3A_275, %ne3A_276 : i32
      %and3A_278 = arith.andi %ne3A_274, %ne3A_277 : i1
      %sub3A_279 = arith.constant 1 : i32
      %sub3A_280 = arith.subi %div3A_259, %sub3A_279 : i32
      %select_n3A_281 = arith.select %and3A_278, %sub3A_280, %div3A_259 : i32
      %rem3A_282 = arith.constant 2 : i32
      %rem3A_283 = arith.remsi %select_n3A_281, %rem3A_282 : i32
      %rem3A_284 = arith.constant 10 : i32
      %rem3A_285 = arith.remsi %scan3A_81, %rem3A_284 : i32
      %dma_start3A_286 = arith.constant 0 : i32
      %dma_start3A_287 = tpu.memref_slice %arg13[%rem3A_83, %dma_start3A_286] : memref<4x80xf32, #tpu.memory_space<vmem>> -> memref<1x80xf32, #tpu.memory_space<vmem>>
      %dma_start3A_288 = tpu.memref_squeeze %dma_start3A_287 : memref<1x80xf32, #tpu.memory_space<vmem>> -> memref<80xf32, #tpu.memory_space<vmem>>
      %dma_start3A_289 = arith.constant 0 : i32
      %dma_start3A_290 = tpu.memref_slice %arg10[%rem3A_283, %rem3A_285, %dma_start3A_289] : memref<2x10x80xi32, #tpu.memory_space<vmem>> -> memref<1x1x80xi32, #tpu.memory_space<vmem>>
      %dma_start3A_291 = tpu.memref_squeeze %dma_start3A_290 : memref<1x1x80xi32, #tpu.memory_space<vmem>> -> memref<80xi32, #tpu.memory_space<vmem>>
      %dma_start3A_292 = arith.constant 0 : i32
      %dma_start3A_293 = tpu.memref_slice %arg15[%dma_start3A_292] : memref<10000xf32, #tpu.memory_space<vmem_shared>> -> memref<10000xf32, #tpu.memory_space<vmem_shared>>
      %dma_start3A_294 = tpu.memref_slice %arg20[%rem3A_83] : memref<4x!tpu.dma_semaphore, #tpu.memory_space<semaphore_mem>> -> memref<1x!tpu.dma_semaphore, #tpu.memory_space<semaphore_mem>>
      %dma_start3A_295 = tpu.memref_squeeze %dma_start3A_294 : memref<1x!tpu.dma_semaphore, #tpu.memory_space<semaphore_mem>> -> memref<!tpu.dma_semaphore, #tpu.memory_space<semaphore_mem>>
      tpu.enqueue_indirect_dma source(%dma_start3A_288 : memref<80xf32, #tpu.memory_space<vmem>>) target(%dma_start3A_293 : memref<10000xf32, #tpu.memory_space<vmem_shared>>) offsets(%dma_start3A_291 : memref<80xi32, #tpu.memory_space<vmem>>) semaphore(%dma_start3A_295 : memref<!tpu.dma_semaphore, #tpu.memory_space<semaphore_mem>>) {add = true}
    }
    %scan3A_58 = arith.constant 250 : i32
    %scan3A_59 = arith.constant 0 : i32
    %scan3A_60 = arith.constant 247 : i32
    %scan3A_61 = arith.constant 3 : i32
    %scan3A_62 = arith.addi %scan3A_60, %scan3A_61 : i32
    %scan3A_63 = arith.constant 1 : i32
    scf.for %scan3A_81 = %scan3A_60 to %scan3A_62 step %scan3A_63  : i32 {
      %rem3A_82 = arith.constant 4 : i32
      %rem3A_83 = arith.remsi %scan3A_81, %rem3A_82 : i32
      %jit3A = arith.constant 10 : i32
      %div3A = arith.divsi %scan3A_81, %jit3A : i32
      %sign3A = arith.constant 0 : i32
      %sign3A_84 = arith.cmpi sgt, %scan3A_81, %sign3A : i32
      %sign3A_85 = arith.extui %sign3A_84 : i1 to i32
      %sign3A_86 = arith.constant 0 : i32
      %sign3A_87 = arith.cmpi slt, %scan3A_81, %sign3A_86 : i32
      %sign3A_88 = arith.extui %sign3A_87 : i1 to i32
      %sign3A_89 = arith.subi %sign3A_85, %sign3A_88 : i32
      %sign3A_90 = arith.constant 0 : i32
      %sign3A_91 = arith.cmpi sgt, %jit3A, %sign3A_90 : i32
      %sign3A_92 = arith.extui %sign3A_91 : i1 to i32
      %sign3A_93 = arith.constant 0 : i32
      %sign3A_94 = arith.cmpi slt, %jit3A, %sign3A_93 : i32
      %sign3A_95 = arith.extui %sign3A_94 : i1 to i32
      %sign3A_96 = arith.subi %sign3A_92, %sign3A_95 : i32
      %ne3A = arith.cmpi ne, %sign3A_89, %sign3A_96 : i32
      %rem3A_97 = arith.remsi %scan3A_81, %jit3A : i32
      %ne3A_98 = arith.constant 0 : i32
      %ne3A_99 = arith.cmpi ne, %rem3A_97, %ne3A_98 : i32
      %and3A = arith.andi %ne3A, %ne3A_99 : i1
      %sub3A = arith.constant 1 : i32
      %sub3A_100 = arith.subi %div3A, %sub3A : i32
      %select_n3A = arith.select %and3A, %sub3A_100, %div3A : i32
      %rem3A_101 = arith.constant 2 : i32
      %rem3A_102 = arith.remsi %select_n3A, %rem3A_101 : i32
      %rem3A_103 = arith.constant 10 : i32
      %rem3A_104 = arith.remsi %scan3A_81, %rem3A_103 : i32
      %dma_wait3A = arith.constant 0 : i32
      %dma_wait3A_105 = arith.constant 0 : i32
      %dma_wait3A_106 = tpu.memref_slice %arg12[%rem3A_83, %dma_wait3A, %dma_wait3A_105] : memref<4x80x64xf32, #tpu.memory_space<vmem>> -> memref<1x80x64xf32, #tpu.memory_space<vmem>>
      %dma_wait3A_107 = tpu.memref_squeeze %dma_wait3A_106 : memref<1x80x64xf32, #tpu.memory_space<vmem>> -> memref<80x64xf32, #tpu.memory_space<vmem>>
      %dma_wait3A_108 = arith.constant 0 : i32
      %dma_wait3A_109 = tpu.memref_slice %arg11[%rem3A_102, %rem3A_104, %dma_wait3A_108] : memref<2x10x80xi32, #tpu.memory_space<vmem>> -> memref<1x1x80xi32, #tpu.memory_space<vmem>>
      %dma_wait3A_110 = tpu.memref_squeeze %dma_wait3A_109 : memref<1x1x80xi32, #tpu.memory_space<vmem>> -> memref<80xi32, #tpu.memory_space<vmem>>
      %dma_wait3A_111 = arith.constant 0 : i32
      %dma_wait3A_112 = arith.constant 0 : i32
      %dma_wait3A_113 = tpu.memref_slice %arg14[%dma_wait3A_111, %dma_wait3A_112] : memref<10000x64xf32, #tpu.memory_space<vmem_shared>> -> memref<10000x64xf32, #tpu.memory_space<vmem_shared>>
      %dma_wait3A_114 = tpu.memref_slice %arg19[%rem3A_83] : memref<4x!tpu.dma_semaphore, #tpu.memory_space<semaphore_mem>> -> memref<1x!tpu.dma_semaphore, #tpu.memory_space<semaphore_mem>>
      %dma_wait3A_115 = tpu.memref_squeeze %dma_wait3A_114 : memref<1x!tpu.dma_semaphore, #tpu.memory_space<semaphore_mem>> -> memref<!tpu.dma_semaphore, #tpu.memory_space<semaphore_mem>>
      tpu.wait_indirect_dma semaphore(%dma_wait3A_115 : memref<!tpu.dma_semaphore, #tpu.memory_space<semaphore_mem>>) src(%dma_wait3A_107 : memref<80x64xf32, #tpu.memory_space<vmem>>) dst(%dma_wait3A_113 : memref<10000x64xf32, #tpu.memory_space<vmem_shared>>)
      %jit3A_116 = arith.constant 10 : i32
      %div3A_117 = arith.divsi %scan3A_81, %jit3A_116 : i32
      %sign3A_118 = arith.constant 0 : i32
      %sign3A_119 = arith.cmpi sgt, %scan3A_81, %sign3A_118 : i32
      %sign3A_120 = arith.extui %sign3A_119 : i1 to i32
      %sign3A_121 = arith.constant 0 : i32
      %sign3A_122 = arith.cmpi slt, %scan3A_81, %sign3A_121 : i32
      %sign3A_123 = arith.extui %sign3A_122 : i1 to i32
      %sign3A_124 = arith.subi %sign3A_120, %sign3A_123 : i32
      %sign3A_125 = arith.constant 0 : i32
      %sign3A_126 = arith.cmpi sgt, %jit3A_116, %sign3A_125 : i32
      %sign3A_127 = arith.extui %sign3A_126 : i1 to i32
      %sign3A_128 = arith.constant 0 : i32
      %sign3A_129 = arith.cmpi slt, %jit3A_116, %sign3A_128 : i32
      %sign3A_130 = arith.extui %sign3A_129 : i1 to i32
      %sign3A_131 = arith.subi %sign3A_127, %sign3A_130 : i32
      %ne3A_132 = arith.cmpi ne, %sign3A_124, %sign3A_131 : i32
      %rem3A_133 = arith.remsi %scan3A_81, %jit3A_116 : i32
      %ne3A_134 = arith.constant 0 : i32
      %ne3A_135 = arith.cmpi ne, %rem3A_133, %ne3A_134 : i32
      %and3A_136 = arith.andi %ne3A_132, %ne3A_135 : i1
      %sub3A_137 = arith.constant 1 : i32
      %sub3A_138 = arith.subi %div3A_117, %sub3A_137 : i32
      %select_n3A_139 = arith.select %and3A_136, %sub3A_138, %div3A_117 : i32
      %rem3A_140 = arith.constant 2 : i32
      %rem3A_141 = arith.remsi %select_n3A_139, %rem3A_140 : i32
      %rem3A_142 = arith.constant 10 : i32
      %rem3A_143 = arith.remsi %scan3A_81, %rem3A_142 : i32
      %dma_wait3A_144 = arith.constant 0 : i32
      %dma_wait3A_145 = tpu.memref_slice %arg13[%rem3A_83, %dma_wait3A_144] : memref<4x80xf32, #tpu.memory_space<vmem>> -> memref<1x80xf32, #tpu.memory_space<vmem>>
      %dma_wait3A_146 = tpu.memref_squeeze %dma_wait3A_145 : memref<1x80xf32, #tpu.memory_space<vmem>> -> memref<80xf32, #tpu.memory_space<vmem>>
      %dma_wait3A_147 = arith.constant 0 : i32
      %dma_wait3A_148 = tpu.memref_slice %arg10[%rem3A_141, %rem3A_143, %dma_wait3A_147] : memref<2x10x80xi32, #tpu.memory_space<vmem>> -> memref<1x1x80xi32, #tpu.memory_space<vmem>>
      %dma_wait3A_149 = tpu.memref_squeeze %dma_wait3A_148 : memref<1x1x80xi32, #tpu.memory_space<vmem>> -> memref<80xi32, #tpu.memory_space<vmem>>
      %dma_wait3A_150 = arith.constant 0 : i32
      %dma_wait3A_151 = tpu.memref_slice %arg15[%dma_wait3A_150] : memref<10000xf32, #tpu.memory_space<vmem_shared>> -> memref<10000xf32, #tpu.memory_space<vmem_shared>>
      %dma_wait3A_152 = tpu.memref_slice %arg20[%rem3A_83] : memref<4x!tpu.dma_semaphore, #tpu.memory_space<semaphore_mem>> -> memref<1x!tpu.dma_semaphore, #tpu.memory_space<semaphore_mem>>
      %dma_wait3A_153 = tpu.memref_squeeze %dma_wait3A_152 : memref<1x!tpu.dma_semaphore, #tpu.memory_space<semaphore_mem>> -> memref<!tpu.dma_semaphore, #tpu.memory_space<semaphore_mem>>
      tpu.wait_indirect_dma semaphore(%dma_wait3A_153 : memref<!tpu.dma_semaphore, #tpu.memory_space<semaphore_mem>>) src(%dma_wait3A_146 : memref<80xf32, #tpu.memory_space<vmem>>) dst(%dma_wait3A_151 : memref<10000xf32, #tpu.memory_space<vmem_shared>>)
    }
    %scan3A_64 = arith.constant 3 : i32
    %barrier3A_65 = arith.constant 0 : index
    tpu.barrier barrier_id(%barrier3A_65)
    %lt3A_66 = arith.constant 15 : i32
    %lt3A_67 = arith.cmpi slt, %arg1, %lt3A_66 : i32
    %convert_element_type3A_68 = arith.extui %lt3A_67 : i1 to i32
    %cond3A_69 = arith.constant 0 : i32
    %cond3A_70 = arith.cmpi ne, %convert_element_type3A_68, %cond3A_69 : i32
    scf.if %cond3A_70 {
      %mul3A = arith.constant 632 : i32
      %mul3A_81 = arith.muli %arg1, %mul3A : i32
      %mul3A_82 = arith.constant 632 : i32
      %mul3A_83 = arith.muli %arg1, %mul3A_82 : i32
      "tpu.region"() ({
        %run_scoped3A_84 = tpu.sem_alloc : memref<!tpu.dma_semaphore, #tpu.memory_space<semaphore_mem>>
        %dma_start3A_85 = arith.constant 0 : i32
        %dma_start3A_86 = tpu.memref_slice %arg8[%arg0, %mul3A_83, %dma_start3A_85] : memref<2x10000x64xf32, #tpu.memory_space<hbm>> -> memref<1x632x64xf32, #tpu.memory_space<hbm>>
        %dma_start3A_87 = tpu.memref_squeeze %dma_start3A_86 : memref<1x632x64xf32, #tpu.memory_space<hbm>> -> memref<632x64xf32, #tpu.memory_space<hbm>>
        %dma_start3A_88 = arith.constant 0 : i32
        %dma_start3A_89 = tpu.memref_slice %arg14[%mul3A_81, %dma_start3A_88] : memref<10000x64xf32, #tpu.memory_space<vmem_shared>> -> memref<632x64xf32, #tpu.memory_space<vmem_shared>>
        tpu.enqueue_dma source(%dma_start3A_89 : memref<632x64xf32, #tpu.memory_space<vmem_shared>>) target(%dma_start3A_87 : memref<632x64xf32, #tpu.memory_space<hbm>>) target_semaphore(%run_scoped3A_84 : memref<!tpu.dma_semaphore, #tpu.memory_space<semaphore_mem>>)
        %dma_wait3A = arith.constant 0 : i32
        %dma_wait3A_90 = tpu.memref_slice %arg8[%arg0, %mul3A_83, %dma_wait3A] : memref<2x10000x64xf32, #tpu.memory_space<hbm>> -> memref<1x632x64xf32, #tpu.memory_space<hbm>>
        %dma_wait3A_91 = tpu.memref_squeeze %dma_wait3A_90 : memref<1x632x64xf32, #tpu.memory_space<hbm>> -> memref<632x64xf32, #tpu.memory_space<hbm>>
        %dma_wait3A_92 = arith.constant 0 : i32
        %dma_wait3A_93 = tpu.memref_slice %arg14[%mul3A_81, %dma_wait3A_92] : memref<10000x64xf32, #tpu.memory_space<vmem_shared>> -> memref<632x64xf32, #tpu.memory_space<vmem_shared>>
        tpu.wait_dma2 semaphore(%run_scoped3A_84 : memref<!tpu.dma_semaphore, #tpu.memory_space<semaphore_mem>>) src(%dma_wait3A_93 : memref<632x64xf32, #tpu.memory_space<vmem_shared>>) dst(%dma_wait3A_91 : memref<632x64xf32, #tpu.memory_space<hbm>>)
        tpu.yield
      }) : () -> ()
    } else {
    }
    %eq3A_71 = arith.constant 15 : i32
    %eq3A_72 = arith.cmpi eq, %arg1, %eq3A_71 : i32
    %convert_element_type3A_73 = arith.extui %eq3A_72 : i1 to i32
    %cond3A_74 = arith.constant 0 : i32
    %cond3A_75 = arith.cmpi ne, %convert_element_type3A_73, %cond3A_74 : i32
    scf.if %cond3A_75 {
      "tpu.region"() ({
        %run_scoped3A_81 = tpu.sem_alloc : memref<!tpu.dma_semaphore, #tpu.memory_space<semaphore_mem>>
        %dma_start3A_82 = arith.constant 9480 : i32
        %dma_start3A_83 = arith.constant 0 : i32
        %dma_start3A_84 = tpu.memref_slice %arg8[%arg0, %dma_start3A_82, %dma_start3A_83] : memref<2x10000x64xf32, #tpu.memory_space<hbm>> -> memref<1x520x64xf32, #tpu.memory_space<hbm>>
        %dma_start3A_85 = tpu.memref_squeeze %dma_start3A_84 : memref<1x520x64xf32, #tpu.memory_space<hbm>> -> memref<520x64xf32, #tpu.memory_space<hbm>>
        %dma_start3A_86 = arith.constant 9480 : i32
        %dma_start3A_87 = arith.constant 0 : i32
        %dma_start3A_88 = tpu.memref_slice %arg14[%dma_start3A_86, %dma_start3A_87] : memref<10000x64xf32, #tpu.memory_space<vmem_shared>> -> memref<520x64xf32, #tpu.memory_space<vmem_shared>>
        tpu.enqueue_dma source(%dma_start3A_88 : memref<520x64xf32, #tpu.memory_space<vmem_shared>>) target(%dma_start3A_85 : memref<520x64xf32, #tpu.memory_space<hbm>>) target_semaphore(%run_scoped3A_81 : memref<!tpu.dma_semaphore, #tpu.memory_space<semaphore_mem>>)
        %dma_wait3A = arith.constant 9480 : i32
        %dma_wait3A_89 = arith.constant 0 : i32
        %dma_wait3A_90 = tpu.memref_slice %arg8[%arg0, %dma_wait3A, %dma_wait3A_89] : memref<2x10000x64xf32, #tpu.memory_space<hbm>> -> memref<1x520x64xf32, #tpu.memory_space<hbm>>
        %dma_wait3A_91 = tpu.memref_squeeze %dma_wait3A_90 : memref<1x520x64xf32, #tpu.memory_space<hbm>> -> memref<520x64xf32, #tpu.memory_space<hbm>>
        %dma_wait3A_92 = arith.constant 9480 : i32
        %dma_wait3A_93 = arith.constant 0 : i32
        %dma_wait3A_94 = tpu.memref_slice %arg14[%dma_wait3A_92, %dma_wait3A_93] : memref<10000x64xf32, #tpu.memory_space<vmem_shared>> -> memref<520x64xf32, #tpu.memory_space<vmem_shared>>
        tpu.wait_dma2 semaphore(%run_scoped3A_81 : memref<!tpu.dma_semaphore, #tpu.memory_space<semaphore_mem>>) src(%dma_wait3A_94 : memref<520x64xf32, #tpu.memory_space<vmem_shared>>) dst(%dma_wait3A_91 : memref<520x64xf32, #tpu.memory_space<hbm>>)
        tpu.yield
      }) : () -> ()
    } else {
    }
    %eq3A_76 = arith.constant 0 : i32
    %eq3A_77 = arith.cmpi eq, %arg1, %eq3A_76 : i32
    %convert_element_type3A_78 = arith.extui %eq3A_77 : i1 to i32
    %cond3A_79 = arith.constant 0 : i32
    %cond3A_80 = arith.cmpi ne, %convert_element_type3A_78, %cond3A_79 : i32
    scf.if %cond3A_80 {
      "tpu.region"() ({
        %run_scoped3A_81 = tpu.sem_alloc : memref<!tpu.dma_semaphore, #tpu.memory_space<semaphore_mem>>
        %dma_start3A_82 = arith.constant 0 : i32
        %dma_start3A_83 = tpu.memref_slice %arg9[%arg0, %dma_start3A_82] : memref<2x10000xf32, #tpu.memory_space<hbm>> -> memref<1x10000xf32, #tpu.memory_space<hbm>>
        %dma_start3A_84 = tpu.memref_squeeze %dma_start3A_83 : memref<1x10000xf32, #tpu.memory_space<hbm>> -> memref<10000xf32, #tpu.memory_space<hbm>>
        tpu.enqueue_dma source(%arg15 : memref<10000xf32, #tpu.memory_space<vmem_shared>>) target(%dma_start3A_84 : memref<10000xf32, #tpu.memory_space<hbm>>) target_semaphore(%run_scoped3A_81 : memref<!tpu.dma_semaphore, #tpu.memory_space<semaphore_mem>>)
        %dma_wait3A = arith.constant 0 : i32
        %dma_wait3A_85 = tpu.memref_slice %arg9[%arg0, %dma_wait3A] : memref<2x10000xf32, #tpu.memory_space<hbm>> -> memref<1x10000xf32, #tpu.memory_space<hbm>>
        %dma_wait3A_86 = tpu.memref_squeeze %dma_wait3A_85 : memref<1x10000xf32, #tpu.memory_space<hbm>> -> memref<10000xf32, #tpu.memory_space<hbm>>
        tpu.wait_dma2 semaphore(%run_scoped3A_81 : memref<!tpu.dma_semaphore, #tpu.memory_space<semaphore_mem>>) src(%arg15 : memref<10000xf32, #tpu.memory_space<vmem_shared>>) dst(%dma_wait3A_86 : memref<10000xf32, #tpu.memory_space<hbm>>)
        tpu.yield
      }) : () -> ()
    } else {
    }
    return
  }
}

#map = affine_map<(d0, d1) -> (0, 0, 0)>
#map1 = affine_map<(d0, d1) -> (0)>
#map2 = affine_map<(d0, d1) -> (0, 0)>
module attributes {stable_mosaic.version = 14 : i64} {
  func.func @_deg_kernel(%arg0: i32, %arg1: i32, %arg2: memref<32x125x80xi32, #tpu.memory_space<hbm>>, %arg3: memref<32x125x80xi32, #tpu.memory_space<hbm>>, %arg4: memref<10000xf32, #tpu.memory_space<hbm>>, %arg5: memref<2x10000xf32, #tpu.memory_space<hbm>>, %arg6: memref<2x10000xf32, #tpu.memory_space<hbm>>, %arg7: memref<125x80xi32, #tpu.memory_space<vmem>>, %arg8: memref<125x80xi32, #tpu.memory_space<vmem>>, %arg9: memref<80xf32, #tpu.memory_space<vmem>>, %arg10: memref<10000xf32, #tpu.memory_space<vmem_shared>>, %arg11: memref<10000xf32, #tpu.memory_space<vmem_shared>>, %arg12: memref<!tpu.dma_semaphore, #tpu.memory_space<semaphore_mem>>, %arg13: memref<!tpu.dma_semaphore, #tpu.memory_space<semaphore_mem>>) attributes {dimension_semantics = [#tpu.dimension_semantics<core_parallel>, #tpu.dimension_semantics<subcore_parallel>], iteration_bounds = array<i64: 2, 16>, scalar_prefetch = 0 : i64, scratch_operands = 7 : i64, tpu.core_type = #tpu.core_type<sc_vector_subcore>, window_params = [{transform_indices = #map}, {transform_indices = #map}, {transform_indices = #map1}, {transform_indices = #map2}, {transform_indices = #map2}]} {
    %mul3A = arith.constant 16 : i32
    %mul3A_0 = arith.muli %arg0, %mul3A : i32
    %add3A = arith.addi %mul3A_0, %arg1 : i32
    "tpu.region"() ({
      %run_scoped3A = tpu.sem_alloc : memref<!tpu.dma_semaphore, #tpu.memory_space<semaphore_mem>>
      %dma_start3A = arith.constant 0 : i32
      %dma_start3A_26 = arith.constant 0 : i32
      %dma_start3A_27 = tpu.memref_slice %arg2[%add3A, %dma_start3A, %dma_start3A_26] : memref<32x125x80xi32, #tpu.memory_space<hbm>> -> memref<1x125x80xi32, #tpu.memory_space<hbm>>
      %dma_start3A_28 = tpu.memref_squeeze %dma_start3A_27 : memref<1x125x80xi32, #tpu.memory_space<hbm>> -> memref<125x80xi32, #tpu.memory_space<hbm>>
      %dma_start3A_29 = arith.constant 0 : i32
      %dma_start3A_30 = arith.constant 0 : i32
      %dma_start3A_31 = tpu.memref_slice %arg2[%add3A, %dma_start3A_29, %dma_start3A_30] : memref<32x125x80xi32, #tpu.memory_space<hbm>> -> memref<1x125x80xi32, #tpu.memory_space<hbm>>
      %dma_start3A_32 = tpu.memref_squeeze %dma_start3A_31 : memref<1x125x80xi32, #tpu.memory_space<hbm>> -> memref<125x80xi32, #tpu.memory_space<hbm>>
      tpu.enqueue_dma source(%dma_start3A_32 : memref<125x80xi32, #tpu.memory_space<hbm>>) target(%arg7 : memref<125x80xi32, #tpu.memory_space<vmem>>) target_semaphore(%run_scoped3A : memref<!tpu.dma_semaphore, #tpu.memory_space<semaphore_mem>>)
      %dma_wait3A = arith.constant 0 : i32
      %dma_wait3A_33 = arith.constant 0 : i32
      %dma_wait3A_34 = tpu.memref_slice %arg2[%add3A, %dma_wait3A, %dma_wait3A_33] : memref<32x125x80xi32, #tpu.memory_space<hbm>> -> memref<1x125x80xi32, #tpu.memory_space<hbm>>
      %dma_wait3A_35 = tpu.memref_squeeze %dma_wait3A_34 : memref<1x125x80xi32, #tpu.memory_space<hbm>> -> memref<125x80xi32, #tpu.memory_space<hbm>>
      %dma_wait3A_36 = arith.constant 0 : i32
      %dma_wait3A_37 = arith.constant 0 : i32
      %dma_wait3A_38 = tpu.memref_slice %arg2[%add3A, %dma_wait3A_36, %dma_wait3A_37] : memref<32x125x80xi32, #tpu.memory_space<hbm>> -> memref<1x125x80xi32, #tpu.memory_space<hbm>>
      %dma_wait3A_39 = tpu.memref_squeeze %dma_wait3A_38 : memref<1x125x80xi32, #tpu.memory_space<hbm>> -> memref<125x80xi32, #tpu.memory_space<hbm>>
      tpu.wait_dma2 semaphore(%run_scoped3A : memref<!tpu.dma_semaphore, #tpu.memory_space<semaphore_mem>>) src(%dma_wait3A_39 : memref<125x80xi32, #tpu.memory_space<hbm>>) dst(%arg7 : memref<125x80xi32, #tpu.memory_space<vmem>>)
      tpu.yield
    }) : () -> ()
    "tpu.region"() ({
      %run_scoped3A = tpu.sem_alloc : memref<!tpu.dma_semaphore, #tpu.memory_space<semaphore_mem>>
      %dma_start3A = arith.constant 0 : i32
      %dma_start3A_26 = arith.constant 0 : i32
      %dma_start3A_27 = tpu.memref_slice %arg3[%add3A, %dma_start3A, %dma_start3A_26] : memref<32x125x80xi32, #tpu.memory_space<hbm>> -> memref<1x125x80xi32, #tpu.memory_space<hbm>>
      %dma_start3A_28 = tpu.memref_squeeze %dma_start3A_27 : memref<1x125x80xi32, #tpu.memory_space<hbm>> -> memref<125x80xi32, #tpu.memory_space<hbm>>
      %dma_start3A_29 = arith.constant 0 : i32
      %dma_start3A_30 = arith.constant 0 : i32
      %dma_start3A_31 = tpu.memref_slice %arg3[%add3A, %dma_start3A_29, %dma_start3A_30] : memref<32x125x80xi32, #tpu.memory_space<hbm>> -> memref<1x125x80xi32, #tpu.memory_space<hbm>>
      %dma_start3A_32 = tpu.memref_squeeze %dma_start3A_31 : memref<1x125x80xi32, #tpu.memory_space<hbm>> -> memref<125x80xi32, #tpu.memory_space<hbm>>
      tpu.enqueue_dma source(%dma_start3A_32 : memref<125x80xi32, #tpu.memory_space<hbm>>) target(%arg8 : memref<125x80xi32, #tpu.memory_space<vmem>>) target_semaphore(%run_scoped3A : memref<!tpu.dma_semaphore, #tpu.memory_space<semaphore_mem>>)
      %dma_wait3A = arith.constant 0 : i32
      %dma_wait3A_33 = arith.constant 0 : i32
      %dma_wait3A_34 = tpu.memref_slice %arg3[%add3A, %dma_wait3A, %dma_wait3A_33] : memref<32x125x80xi32, #tpu.memory_space<hbm>> -> memref<1x125x80xi32, #tpu.memory_space<hbm>>
      %dma_wait3A_35 = tpu.memref_squeeze %dma_wait3A_34 : memref<1x125x80xi32, #tpu.memory_space<hbm>> -> memref<125x80xi32, #tpu.memory_space<hbm>>
      %dma_wait3A_36 = arith.constant 0 : i32
      %dma_wait3A_37 = arith.constant 0 : i32
      %dma_wait3A_38 = tpu.memref_slice %arg3[%add3A, %dma_wait3A_36, %dma_wait3A_37] : memref<32x125x80xi32, #tpu.memory_space<hbm>> -> memref<1x125x80xi32, #tpu.memory_space<hbm>>
      %dma_wait3A_39 = tpu.memref_squeeze %dma_wait3A_38 : memref<1x125x80xi32, #tpu.memory_space<hbm>> -> memref<125x80xi32, #tpu.memory_space<hbm>>
      tpu.wait_dma2 semaphore(%run_scoped3A : memref<!tpu.dma_semaphore, #tpu.memory_space<semaphore_mem>>) src(%dma_wait3A_39 : memref<125x80xi32, #tpu.memory_space<hbm>>) dst(%arg8 : memref<125x80xi32, #tpu.memory_space<vmem>>)
      tpu.yield
    }) : () -> ()
    %scan3A = arith.constant 0 : i32
    %scan3A_1 = arith.constant 0 : i32
    %scan3A_2 = arith.constant 5 : i32
    %scan3A_3 = arith.addi %scan3A_1, %scan3A_2 : i32
    %scan3A_4 = arith.constant 1 : i32
    scf.for %scan3A_26 = %scan3A_1 to %scan3A_3 step %scan3A_4  : i32 {
      %broadcast_in_dim3A = arith.constant 1.000000e+00 : f32
      %broadcast_in_dim3A_27 = vector.broadcast %broadcast_in_dim3A : f32 to vector<16xf32>
      %mul3A_28 = arith.constant 16 : i32
      %mul3A_29 = arith.muli %scan3A_26, %mul3A_28 : i32
      %swap3A = arith.index_cast %mul3A_29 : i32 to index
      %swap3A_30 = tpu.vector_load %arg9[%swap3A] {strides = array<i32>} : memref<80xf32, #tpu.memory_space<vmem>>, vector<16xf32>,
      tpu.vector_store %arg9[%swap3A], %broadcast_in_dim3A_27 {strides = array<i32>} : memref<80xf32, #tpu.memory_space<vmem>>, vector<16xf32>,
    }
    %scan3A_5 = arith.constant 5 : i32
    %eq3A = arith.constant 0 : i32
    %eq3A_6 = arith.cmpi eq, %arg1, %eq3A : i32
    %convert_element_type3A = arith.extui %eq3A_6 : i1 to i32
    %cond3A = arith.constant 0 : i32
    %cond3A_7 = arith.cmpi ne, %convert_element_type3A, %cond3A : i32
    scf.if %cond3A_7 {
      "tpu.region"() ({
        %run_scoped3A = tpu.sem_alloc : memref<!tpu.dma_semaphore, #tpu.memory_space<semaphore_mem>>
        tpu.enqueue_dma source(%arg4 : memref<10000xf32, #tpu.memory_space<hbm>>) target(%arg10 : memref<10000xf32, #tpu.memory_space<vmem_shared>>) target_semaphore(%run_scoped3A : memref<!tpu.dma_semaphore, #tpu.memory_space<semaphore_mem>>)
        tpu.wait_dma2 semaphore(%run_scoped3A : memref<!tpu.dma_semaphore, #tpu.memory_space<semaphore_mem>>) src(%arg4 : memref<10000xf32, #tpu.memory_space<hbm>>) dst(%arg10 : memref<10000xf32, #tpu.memory_space<vmem_shared>>)
        tpu.yield
      }) : () -> ()
      "tpu.region"() ({
        %run_scoped3A = tpu.sem_alloc : memref<!tpu.dma_semaphore, #tpu.memory_space<semaphore_mem>>
        tpu.enqueue_dma source(%arg4 : memref<10000xf32, #tpu.memory_space<hbm>>) target(%arg11 : memref<10000xf32, #tpu.memory_space<vmem_shared>>) target_semaphore(%run_scoped3A : memref<!tpu.dma_semaphore, #tpu.memory_space<semaphore_mem>>)
        tpu.wait_dma2 semaphore(%run_scoped3A : memref<!tpu.dma_semaphore, #tpu.memory_space<semaphore_mem>>) src(%arg4 : memref<10000xf32, #tpu.memory_space<hbm>>) dst(%arg11 : memref<10000xf32, #tpu.memory_space<vmem_shared>>)
        tpu.yield
      }) : () -> ()
    } else {
    }
    %barrier3A = arith.constant 0 : index
    tpu.barrier barrier_id(%barrier3A)
    %scan3A_8 = arith.constant 0 : i32
    %scan3A_9 = arith.constant 0 : i32
    %scan3A_10 = arith.constant 125 : i32
    %scan3A_11 = arith.addi %scan3A_9, %scan3A_10 : i32
    %scan3A_12 = arith.constant 1 : i32
    scf.for %scan3A_26 = %scan3A_9 to %scan3A_11 step %scan3A_12  : i32 {
      %ge3A = arith.constant 4 : i32
      %ge3A_27 = arith.cmpi sge, %scan3A_26, %ge3A : i32
      %convert_element_type3A_28 = arith.extui %ge3A_27 : i1 to i32
      %cond3A_29 = arith.constant 0 : i32
      %cond3A_30 = arith.cmpi ne, %convert_element_type3A_28, %cond3A_29 : i32
      scf.if %cond3A_30 {
        %sub3A = arith.constant 4 : i32
        %sub3A_40 = arith.subi %scan3A_26, %sub3A : i32
        %dma_wait3A = arith.constant 0 : i32
        %dma_wait3A_41 = tpu.memref_slice %arg7[%sub3A_40, %dma_wait3A] : memref<125x80xi32, #tpu.memory_space<vmem>> -> memref<1x80xi32, #tpu.memory_space<vmem>>
        %dma_wait3A_42 = tpu.memref_squeeze %dma_wait3A_41 : memref<1x80xi32, #tpu.memory_space<vmem>> -> memref<80xi32, #tpu.memory_space<vmem>>
        %dma_wait3A_43 = arith.constant 0 : i32
        %dma_wait3A_44 = tpu.memref_slice %arg10[%dma_wait3A_43] : memref<10000xf32, #tpu.memory_space<vmem_shared>> -> memref<10000xf32, #tpu.memory_space<vmem_shared>>
        tpu.wait_indirect_dma semaphore(%arg12 : memref<!tpu.dma_semaphore, #tpu.memory_space<semaphore_mem>>) src(%arg9 : memref<80xf32, #tpu.memory_space<vmem>>) dst(%dma_wait3A_44 : memref<10000xf32, #tpu.memory_space<vmem_shared>>)
        %sub3A_45 = arith.constant 4 : i32
        %sub3A_46 = arith.subi %scan3A_26, %sub3A_45 : i32
        %dma_wait3A_47 = arith.constant 0 : i32
        %dma_wait3A_48 = tpu.memref_slice %arg8[%sub3A_46, %dma_wait3A_47] : memref<125x80xi32, #tpu.memory_space<vmem>> -> memref<1x80xi32, #tpu.memory_space<vmem>>
        %dma_wait3A_49 = tpu.memref_squeeze %dma_wait3A_48 : memref<1x80xi32, #tpu.memory_space<vmem>> -> memref<80xi32, #tpu.memory_space<vmem>>
        %dma_wait3A_50 = arith.constant 0 : i32
        %dma_wait3A_51 = tpu.memref_slice %arg11[%dma_wait3A_50] : memref<10000xf32, #tpu.memory_space<vmem_shared>> -> memref<10000xf32, #tpu.memory_space<vmem_shared>>
        tpu.wait_indirect_dma semaphore(%arg13 : memref<!tpu.dma_semaphore, #tpu.memory_space<semaphore_mem>>) src(%arg9 : memref<80xf32, #tpu.memory_space<vmem>>) dst(%dma_wait3A_51 : memref<10000xf32, #tpu.memory_space<vmem_shared>>)
      } else {
      }
      %dma_start3A = arith.constant 0 : i32
      %dma_start3A_31 = tpu.memref_slice %arg7[%scan3A_26, %dma_start3A] : memref<125x80xi32, #tpu.memory_space<vmem>> -> memref<1x80xi32, #tpu.memory_space<vmem>>
      %dma_start3A_32 = tpu.memref_squeeze %dma_start3A_31 : memref<1x80xi32, #tpu.memory_space<vmem>> -> memref<80xi32, #tpu.memory_space<vmem>>
      %dma_start3A_33 = arith.constant 0 : i32
      %dma_start3A_34 = tpu.memref_slice %arg10[%dma_start3A_33] : memref<10000xf32, #tpu.memory_space<vmem_shared>> -> memref<10000xf32, #tpu.memory_space<vmem_shared>>
      tpu.enqueue_indirect_dma source(%arg9 : memref<80xf32, #tpu.memory_space<vmem>>) target(%dma_start3A_34 : memref<10000xf32, #tpu.memory_space<vmem_shared>>) offsets(%dma_start3A_32 : memref<80xi32, #tpu.memory_space<vmem>>) semaphore(%arg12 : memref<!tpu.dma_semaphore, #tpu.memory_space<semaphore_mem>>) {add = true}
      %dma_start3A_35 = arith.constant 0 : i32
      %dma_start3A_36 = tpu.memref_slice %arg8[%scan3A_26, %dma_start3A_35] : memref<125x80xi32, #tpu.memory_space<vmem>> -> memref<1x80xi32, #tpu.memory_space<vmem>>
      %dma_start3A_37 = tpu.memref_squeeze %dma_start3A_36 : memref<1x80xi32, #tpu.memory_space<vmem>> -> memref<80xi32, #tpu.memory_space<vmem>>
      %dma_start3A_38 = arith.constant 0 : i32
      %dma_start3A_39 = tpu.memref_slice %arg11[%dma_start3A_38] : memref<10000xf32, #tpu.memory_space<vmem_shared>> -> memref<10000xf32, #tpu.memory_space<vmem_shared>>
      tpu.enqueue_indirect_dma source(%arg9 : memref<80xf32, #tpu.memory_space<vmem>>) target(%dma_start3A_39 : memref<10000xf32, #tpu.memory_space<vmem_shared>>) offsets(%dma_start3A_37 : memref<80xi32, #tpu.memory_space<vmem>>) semaphore(%arg13 : memref<!tpu.dma_semaphore, #tpu.memory_space<semaphore_mem>>) {add = true}
    }
    %scan3A_13 = arith.constant 125 : i32
    %scan3A_14 = arith.constant 0 : i32
    %scan3A_15 = arith.constant 121 : i32
    %scan3A_16 = arith.constant 4 : i32
    %scan3A_17 = arith.addi %scan3A_15, %scan3A_16 : i32
    %scan3A_18 = arith.constant 1 : i32
    scf.for %scan3A_26 = %scan3A_15 to %scan3A_17 step %scan3A_18  : i32 {
      %dma_wait3A = arith.constant 0 : i32
      %dma_wait3A_27 = tpu.memref_slice %arg7[%scan3A_26, %dma_wait3A] : memref<125x80xi32, #tpu.memory_space<vmem>> -> memref<1x80xi32, #tpu.memory_space<vmem>>
      %dma_wait3A_28 = tpu.memref_squeeze %dma_wait3A_27 : memref<1x80xi32, #tpu.memory_space<vmem>> -> memref<80xi32, #tpu.memory_space<vmem>>
      %dma_wait3A_29 = arith.constant 0 : i32
      %dma_wait3A_30 = tpu.memref_slice %arg10[%dma_wait3A_29] : memref<10000xf32, #tpu.memory_space<vmem_shared>> -> memref<10000xf32, #tpu.memory_space<vmem_shared>>
      tpu.wait_indirect_dma semaphore(%arg12 : memref<!tpu.dma_semaphore, #tpu.memory_space<semaphore_mem>>) src(%arg9 : memref<80xf32, #tpu.memory_space<vmem>>) dst(%dma_wait3A_30 : memref<10000xf32, #tpu.memory_space<vmem_shared>>)
      %dma_wait3A_31 = arith.constant 0 : i32
      %dma_wait3A_32 = tpu.memref_slice %arg8[%scan3A_26, %dma_wait3A_31] : memref<125x80xi32, #tpu.memory_space<vmem>> -> memref<1x80xi32, #tpu.memory_space<vmem>>
      %dma_wait3A_33 = tpu.memref_squeeze %dma_wait3A_32 : memref<1x80xi32, #tpu.memory_space<vmem>> -> memref<80xi32, #tpu.memory_space<vmem>>
      %dma_wait3A_34 = arith.constant 0 : i32
      %dma_wait3A_35 = tpu.memref_slice %arg11[%dma_wait3A_34] : memref<10000xf32, #tpu.memory_space<vmem_shared>> -> memref<10000xf32, #tpu.memory_space<vmem_shared>>
      tpu.wait_indirect_dma semaphore(%arg13 : memref<!tpu.dma_semaphore, #tpu.memory_space<semaphore_mem>>) src(%arg9 : memref<80xf32, #tpu.memory_space<vmem>>) dst(%dma_wait3A_35 : memref<10000xf32, #tpu.memory_space<vmem_shared>>)
    }
    %scan3A_19 = arith.constant 4 : i32
    %barrier3A_20 = arith.constant 0 : index
    tpu.barrier barrier_id(%barrier3A_20)
    %eq3A_21 = arith.constant 0 : i32
    %eq3A_22 = arith.cmpi eq, %arg1, %eq3A_21 : i32
    %convert_element_type3A_23 = arith.extui %eq3A_22 : i1 to i32
    %cond3A_24 = arith.constant 0 : i32
    %cond3A_25 = arith.cmpi ne, %convert_element_type3A_23, %cond3A_24 : i32
    scf.if %cond3A_25 {
      "tpu.region"() ({
        %run_scoped3A = tpu.sem_alloc : memref<!tpu.dma_semaphore, #tpu.memory_space<semaphore_mem>>
        %dma_start3A = arith.constant 0 : i32
        %dma_start3A_26 = tpu.memref_slice %arg5[%arg0, %dma_start3A] : memref<2x10000xf32, #tpu.memory_space<hbm>> -> memref<1x10000xf32, #tpu.memory_space<hbm>>
        %dma_start3A_27 = tpu.memref_squeeze %dma_start3A_26 : memref<1x10000xf32, #tpu.memory_space<hbm>> -> memref<10000xf32, #tpu.memory_space<hbm>>
        tpu.enqueue_dma source(%arg10 : memref<10000xf32, #tpu.memory_space<vmem_shared>>) target(%dma_start3A_27 : memref<10000xf32, #tpu.memory_space<hbm>>) target_semaphore(%run_scoped3A : memref<!tpu.dma_semaphore, #tpu.memory_space<semaphore_mem>>)
        %dma_wait3A = arith.constant 0 : i32
        %dma_wait3A_28 = tpu.memref_slice %arg5[%arg0, %dma_wait3A] : memref<2x10000xf32, #tpu.memory_space<hbm>> -> memref<1x10000xf32, #tpu.memory_space<hbm>>
        %dma_wait3A_29 = tpu.memref_squeeze %dma_wait3A_28 : memref<1x10000xf32, #tpu.memory_space<hbm>> -> memref<10000xf32, #tpu.memory_space<hbm>>
        tpu.wait_dma2 semaphore(%run_scoped3A : memref<!tpu.dma_semaphore, #tpu.memory_space<semaphore_mem>>) src(%arg10 : memref<10000xf32, #tpu.memory_space<vmem_shared>>) dst(%dma_wait3A_29 : memref<10000xf32, #tpu.memory_space<hbm>>)
        tpu.yield
      }) : () -> ()
      "tpu.region"() ({
        %run_scoped3A = tpu.sem_alloc : memref<!tpu.dma_semaphore, #tpu.memory_space<semaphore_mem>>
        %dma_start3A = arith.constant 0 : i32
        %dma_start3A_26 = tpu.memref_slice %arg6[%arg0, %dma_start3A] : memref<2x10000xf32, #tpu.memory_space<hbm>> -> memref<1x10000xf32, #tpu.memory_space<hbm>>
        %dma_start3A_27 = tpu.memref_squeeze %dma_start3A_26 : memref<1x10000xf32, #tpu.memory_space<hbm>> -> memref<10000xf32, #tpu.memory_space<hbm>>
        tpu.enqueue_dma source(%arg11 : memref<10000xf32, #tpu.memory_space<vmem_shared>>) target(%dma_start3A_27 : memref<10000xf32, #tpu.memory_space<hbm>>) target_semaphore(%run_scoped3A : memref<!tpu.dma_semaphore, #tpu.memory_space<semaphore_mem>>)
        %dma_wait3A = arith.constant 0 : i32
        %dma_wait3A_28 = tpu.memref_slice %arg6[%arg0, %dma_wait3A] : memref<2x10000xf32, #tpu.memory_space<hbm>> -> memref<1x10000xf32, #tpu.memory_space<hbm>>
        %dma_wait3A_29 = tpu.memref_squeeze %dma_wait3A_28 : memref<1x10000xf32, #tpu.memory_space<hbm>> -> memref<10000xf32, #tpu.memory_space<hbm>>
        tpu.wait_dma2 semaphore(%run_scoped3A : memref<!tpu.dma_semaphore, #tpu.memory_space<semaphore_mem>>) src(%arg11 : memref<10000xf32, #tpu.memory_space<vmem_shared>>) dst(%dma_wait3A_29 : memref<10000xf32, #tpu.memory_space<hbm>>)
        tpu.yield
      }) : () -> ()
    } else {
    }
    return
  }
}

module attributes {stable_mosaic.version = 14 : i64} {
  func.func @_norms_body(%arg0: memref<2x10000xf32, #tpu.memory_space<vmem>>, %arg1: memref<2x10000xf32, #tpu.memory_space<vmem>>, %arg2: memref<1x10000xf32, #tpu.memory_space<vmem>>, %arg3: memref<1x10000xf32, #tpu.memory_space<vmem>>) attributes {dimension_semantics = [], scalar_prefetch = 0 : i64, scratch_operands = 0 : i64, tpu.core_type = #tpu.core_type<tc>} {
    %get3A = arith.constant 0 : index
    %get3A_0 = arith.constant 0 : index
    %get3A_1 = vector.load %arg0[%get3A, %get3A_0] : memref<2x10000xf32, #tpu.memory_space<vmem>>, vector<1x10000xf32>
    %get3A_2 = arith.constant 1 : index
    %get3A_3 = arith.constant 0 : index
    %get3A_4 = vector.load %arg0[%get3A_2, %get3A_3] : memref<2x10000xf32, #tpu.memory_space<vmem>>, vector<1x10000xf32>
    %add3A = arith.addf %get3A_1, %get3A_4 : vector<1x10000xf32>
    %get3A_5 = arith.constant 0 : index
    %get3A_6 = arith.constant 0 : index
    %get3A_7 = vector.load %arg1[%get3A_5, %get3A_6] : memref<2x10000xf32, #tpu.memory_space<vmem>>, vector<1x10000xf32>
    %get3A_8 = arith.constant 1 : index
    %get3A_9 = arith.constant 0 : index
    %get3A_10 = vector.load %arg1[%get3A_8, %get3A_9] : memref<2x10000xf32, #tpu.memory_space<vmem>>, vector<1x10000xf32>
    %add3A_11 = arith.addf %get3A_7, %get3A_10 : vector<1x10000xf32>
    %max3A = arith.constant 1.000000e+00 : f32
    %max3A_12 = vector.broadcast %max3A : f32 to vector<1x10000xf32>
    %max3A_13 = arith.maximumf %add3A, %max3A_12 : vector<1x10000xf32>
    %rsqrt3A = math.rsqrt %max3A_13 : vector<1x10000xf32>
    %swap3A = arith.constant 0 : index
    %swap3A_14 = arith.constant 0 : index
    %swap3A_15 = vector.load %arg2[%swap3A, %swap3A_14] : memref<1x10000xf32, #tpu.memory_space<vmem>>, vector<1x10000xf32>
    tpu.vector_store %arg2[%swap3A, %swap3A_14], %rsqrt3A {strides = array<i32>} : memref<1x10000xf32, #tpu.memory_space<vmem>>, vector<1x10000xf32>,
    %max3A_16 = arith.constant 1.000000e+00 : f32
    %max3A_17 = vector.broadcast %max3A_16 : f32 to vector<1x10000xf32>
    %max3A_18 = arith.maximumf %add3A_11, %max3A_17 : vector<1x10000xf32>
    %rsqrt3A_19 = math.rsqrt %max3A_18 : vector<1x10000xf32>
    %swap3A_20 = arith.constant 0 : index
    %swap3A_21 = arith.constant 0 : index
    %swap3A_22 = vector.load %arg3[%swap3A_20, %swap3A_21] : memref<1x10000xf32, #tpu.memory_space<vmem>>, vector<1x10000xf32>
    tpu.vector_store %arg3[%swap3A_20, %swap3A_21], %rsqrt3A_19 {strides = array<i32>} : memref<1x10000xf32, #tpu.memory_space<vmem>>, vector<1x10000xf32>,
    return
  }
}

module attributes {stable_mosaic.version = 14 : i64} {
  func.func @_mm_body(%arg0: i32, %arg1: memref<1024x128xf32, #tpu.memory_space<vmem>>, %arg2: memref<128x128xf32, #tpu.memory_space<vmem>>, %arg3: memref<1024x1xf32, #tpu.memory_space<vmem>>, %arg4: memref<2x1024x64xf32, #tpu.memory_space<vmem>>) attributes {dimension_semantics = [#tpu.dimension_semantics<arbitrary>], iteration_bounds = array<i64: 10>, scalar_prefetch = 0 : i64, scratch_operands = 0 : i64, tpu.core_type = #tpu.core_type<tc>, window_params = [{transform_indices = @transform_0, window_bounds = array<i64: 1024, 128>}, {pipeline_mode = #tpu.pipeline_mode<synchronous>, transform_indices = @transform_1, window_bounds = array<i64: 128, 128>}, {transform_indices = @transform_2, window_bounds = array<i64: 1024, 1>}, {transform_indices = @transform_3, window_bounds = array<i64: 2, 1024, 64>}]} {
    %get3A = arith.constant 0 : index
    %get3A_0 = arith.constant 0 : index
    %get3A_1 = vector.load %arg1[%get3A, %get3A_0] : memref<1024x128xf32, #tpu.memory_space<vmem>>, vector<1024x128xf32>
    %get3A_2 = arith.constant 0 : index
    %get3A_3 = arith.constant 0 : index
    %get3A_4 = vector.load %arg2[%get3A_2, %get3A_3] : memref<128x128xf32, #tpu.memory_space<vmem>>, vector<128x128xf32>
    %dot_general3A = arith.constant dense<0.000000e+00> : vector<1024x128xf32>
    %dot_general3A_5 = tpu.matmul %get3A_1, %get3A_4, %dot_general3A {dimension_numbers = #tpu.dot_dimension_numbers<[1], [0], [0], [1], [0, 0, 1, 1], [], []>, transpose_lhs_hint = false} : vector<1024x128xf32>, vector<128x128xf32>, vector<1024x128xf32> -> vector<1024x128xf32>
    %get3A_6 = arith.constant 0 : index
    %get3A_7 = arith.constant 0 : index
    %get3A_8 = vector.load %arg3[%get3A_6, %get3A_7] : memref<1024x1xf32, #tpu.memory_space<vmem>>, vector<1024x1xf32>
    %mul3A = vector.broadcast %get3A_8 : vector<1024x1xf32> to vector<1024x128xf32>
    %mul3A_9 = arith.mulf %dot_general3A_5, %mul3A : vector<1024x128xf32>
    %slice3A = vector.extract_strided_slice %mul3A_9 {offsets = [0, 0], sizes = [1024, 64], strides = [1, 1]} : vector<1024x128xf32> to vector<1024x64xf32>
    %swap3A = arith.constant 0 : index
    %swap3A_10 = arith.constant 0 : index
    %swap3A_11 = arith.constant 0 : index
    %swap3A_12 = vector.load %arg4[%swap3A, %swap3A_10, %swap3A_11] : memref<2x1024x64xf32, #tpu.memory_space<vmem>>, vector<1x1024x64xf32>
    %swap3A_13 = vector.shape_cast %swap3A_12 : vector<1x1024x64xf32> to vector<1024x64xf32>
    %swap3A_14 = vector.shape_cast %slice3A : vector<1024x64xf32> to vector<1x1024x64xf32>
    tpu.vector_store %arg4[%swap3A, %swap3A_10, %swap3A_11], %swap3A_14 {strides = array<i32>} : memref<2x1024x64xf32, #tpu.memory_space<vmem>>, vector<1x1024x64xf32>,
    %slice3A_15 = vector.extract_strided_slice %mul3A_9 {offsets = [0, 64], sizes = [1024, 64], strides = [1, 1]} : vector<1024x128xf32> to vector<1024x64xf32>
    %swap3A_16 = arith.constant 1 : index
    %swap3A_17 = arith.constant 0 : index
    %swap3A_18 = arith.constant 0 : index
    %swap3A_19 = vector.load %arg4[%swap3A_16, %swap3A_17, %swap3A_18] : memref<2x1024x64xf32, #tpu.memory_space<vmem>>, vector<1x1024x64xf32>
    %swap3A_20 = vector.shape_cast %swap3A_19 : vector<1x1024x64xf32> to vector<1024x64xf32>
    %swap3A_21 = vector.shape_cast %slice3A_15 : vector<1024x64xf32> to vector<1x1024x64xf32>
    tpu.vector_store %arg4[%swap3A_16, %swap3A_17, %swap3A_18], %swap3A_21 {strides = array<i32>} : memref<2x1024x64xf32, #tpu.memory_space<vmem>>, vector<1x1024x64xf32>,
    return
  }
  func.func @transform_0(%arg0: i32) -> (i32, i32) {
    %c0_i32 = arith.constant 0 : i32
    %c0_i32_0 = arith.constant 0 : i32
    return %arg0, %c0_i32 : i32, i32
  }
  func.func @transform_1(%arg0: i32) -> (i32, i32) {
    %c0_i32 = arith.constant 0 : i32
    %c0_i32_0 = arith.constant 0 : i32
    %c0_i32_1 = arith.constant 0 : i32
    return %c0_i32, %c0_i32_0 : i32, i32
  }
  func.func @transform_2(%arg0: i32) -> (i32, i32) {
    %c0_i32 = arith.constant 0 : i32
    %c0_i32_0 = arith.constant 0 : i32
    return %arg0, %c0_i32 : i32, i32
  }
  func.func @transform_3(%arg0: i32) -> (i32, i32, i32) {
    %c0_i32 = arith.constant 0 : i32
    %c0_i32_0 = arith.constant 0 : i32
    %c0_i32_1 = arith.constant 0 : i32
    return %c0_i32, %arg0, %c0_i32_0 : i32, i32, i32
  }
}

module attributes {stable_mosaic.version = 14 : i64} {
  func.func @_fin_body(%arg0: i32, %arg1: memref<2x1024x64xf32, #tpu.memory_space<vmem>>, %arg2: memref<1024x1xf32, #tpu.memory_space<vmem>>, %arg3: memref<1024x1xf32, #tpu.memory_space<vmem>>, %arg4: memref<2x1024x1xf32, #tpu.memory_space<vmem>>, %arg5: memref<1x128xf32, #tpu.memory_space<vmem>>, %arg6: memref<128x16xf32, #tpu.memory_space<vmem>>, %arg7: memref<1x16xf32, #tpu.memory_space<vmem>>, %arg8: memref<1x16xf32, #tpu.memory_space<vmem>>, %arg9: memref<1x128xf32, #tpu.memory_space<vmem>>) attributes {dimension_semantics = [#tpu.dimension_semantics<arbitrary>], iteration_bounds = array<i64: 10>, scalar_prefetch = 0 : i64, scratch_operands = 1 : i64, tpu.core_type = #tpu.core_type<tc>, window_params = [{transform_indices = @transform_0, window_bounds = array<i64: 2, 1024, 64>}, {transform_indices = @transform_1, window_bounds = array<i64: 1024, 1>}, {transform_indices = @transform_2, window_bounds = array<i64: 1024, 1>}, {transform_indices = @transform_3, window_bounds = array<i64: 2, 1024, 1>}, {pipeline_mode = #tpu.pipeline_mode<synchronous>, transform_indices = @transform_4, window_bounds = array<i64: 1, 128>}, {pipeline_mode = #tpu.pipeline_mode<synchronous>, transform_indices = @transform_5, window_bounds = array<i64: 128, 16>}, {pipeline_mode = #tpu.pipeline_mode<synchronous>, transform_indices = @transform_6, window_bounds = array<i64: 1, 16>}, {pipeline_mode = #tpu.pipeline_mode<synchronous>, transform_indices = @transform_7, window_bounds = array<i64: 1, 16>}]} {
    %eq3A = arith.constant 0 : i32
    %eq3A_0 = arith.cmpi eq, %arg0, %eq3A : i32
    %convert_element_type3A = arith.extui %eq3A_0 : i1 to i32
    %cond3A = arith.constant 0 : i32
    %cond3A_1 = arith.cmpi ne, %convert_element_type3A, %cond3A : i32
    scf.if %cond3A_1 {
      %broadcast_in_dim3A_62 = arith.constant 0.000000e+00 : f32
      %broadcast_in_dim3A_63 = vector.broadcast %broadcast_in_dim3A_62 : f32 to vector<1x128xf32>
      %swap3A_64 = arith.constant 0 : index
      %swap3A_65 = arith.constant 0 : index
      %swap3A_66 = vector.load %arg9[%swap3A_64, %swap3A_65] : memref<1x128xf32, #tpu.memory_space<vmem>>, vector<1x128xf32>
      tpu.vector_store %arg9[%swap3A_64, %swap3A_65], %broadcast_in_dim3A_63 {strides = array<i32>} : memref<1x128xf32, #tpu.memory_space<vmem>>, vector<1x128xf32>,
    } else {
    }
    %get3A = arith.constant 0 : index
    %get3A_2 = arith.constant 0 : index
    %get3A_3 = arith.constant 0 : index
    %get3A_4 = vector.load %arg1[%get3A, %get3A_2, %get3A_3] : memref<2x1024x64xf32, #tpu.memory_space<vmem>>, vector<1x1024x64xf32>
    %get3A_5 = vector.shape_cast %get3A_4 : vector<1x1024x64xf32> to vector<1024x64xf32>
    %get3A_6 = arith.constant 1 : index
    %get3A_7 = arith.constant 0 : index
    %get3A_8 = arith.constant 0 : index
    %get3A_9 = vector.load %arg1[%get3A_6, %get3A_7, %get3A_8] : memref<2x1024x64xf32, #tpu.memory_space<vmem>>, vector<1x1024x64xf32>
    %get3A_10 = vector.shape_cast %get3A_9 : vector<1x1024x64xf32> to vector<1024x64xf32>
    %concatenate3A = tpu.concatenate %get3A_5, %get3A_10 in 1 : vector<1024x64xf32>, vector<1024x64xf32> -> vector<1024x128xf32>
    %get3A_11 = arith.constant 0 : index
    %get3A_12 = arith.constant 0 : index
    %get3A_13 = vector.load %arg2[%get3A_11, %get3A_12] : memref<1024x1xf32, #tpu.memory_space<vmem>>, vector<1024x1xf32>
    %mul3A = vector.broadcast %get3A_13 : vector<1024x1xf32> to vector<1024x128xf32>
    %mul3A_14 = arith.mulf %concatenate3A, %mul3A : vector<1024x128xf32>
    %get3A_15 = arith.constant 0 : index
    %get3A_16 = arith.constant 0 : index
    %get3A_17 = vector.load %arg5[%get3A_15, %get3A_16] : memref<1x128xf32, #tpu.memory_space<vmem>>, vector<1x128xf32>
    %add3A = vector.broadcast %get3A_17 : vector<1x128xf32> to vector<1024x128xf32>
    %add3A_18 = arith.addf %mul3A_14, %add3A : vector<1024x128xf32>
    %max3A = arith.constant 0.000000e+00 : f32
    %max3A_19 = vector.broadcast %max3A : f32 to vector<1024x128xf32>
    %max3A_20 = arith.maximumf %add3A_18, %max3A_19 : vector<1024x128xf32>
    %get3A_21 = arith.constant 0 : index
    %get3A_22 = arith.constant 0 : index
    %get3A_23 = vector.load %arg3[%get3A_21, %get3A_22] : memref<1024x1xf32, #tpu.memory_space<vmem>>, vector<1024x1xf32>
    %get3A_24 = arith.constant 0 : index
    %get3A_25 = arith.constant 0 : index
    %get3A_26 = arith.constant 0 : index
    %get3A_27 = vector.load %arg4[%get3A_24, %get3A_25, %get3A_26] : memref<2x1024x1xf32, #tpu.memory_space<vmem>>, vector<1x1024x1xf32>
    %get3A_28 = vector.shape_cast %get3A_27 : vector<1x1024x1xf32> to vector<1024x1xf32>
    %get3A_29 = arith.constant 1 : index
    %get3A_30 = arith.constant 0 : index
    %get3A_31 = arith.constant 0 : index
    %get3A_32 = vector.load %arg4[%get3A_29, %get3A_30, %get3A_31] : memref<2x1024x1xf32, #tpu.memory_space<vmem>>, vector<1x1024x1xf32>
    %get3A_33 = vector.shape_cast %get3A_32 : vector<1x1024x1xf32> to vector<1024x1xf32>
    %add3A_34 = arith.addf %get3A_28, %get3A_33 : vector<1024x1xf32>
    %mul3A_35 = arith.constant 5.000000e-01 : f32
    %mul3A_36 = vector.broadcast %mul3A_35 : f32 to vector<1024x1xf32>
    %mul3A_37 = arith.mulf %mul3A_36, %add3A_34 : vector<1024x1xf32>
    %mul3A_38 = arith.mulf %get3A_23, %mul3A_37 : vector<1024x1xf32>
    %mul3A_39 = arith.constant 1024 : i32
    %mul3A_40 = arith.muli %arg0, %mul3A_39 : i32
    %iota3A = tpu.iota {dimensions = array<i32: 0>} : vector<1024x1xi32>
    %add3A_41 = vector.broadcast %mul3A_40 : i32 to vector<1024x1xi32>
    %add3A_42 = arith.addi %add3A_41, %iota3A : vector<1024x1xi32>
    %lt3A = arith.constant 10000 : i32
    %lt3A_43 = vector.broadcast %lt3A : i32 to vector<1024x1xi32>
    %lt3A_44 = arith.cmpi slt, %add3A_42, %lt3A_43 : vector<1024x1xi32>
    %mul3A_45 = vector.broadcast %mul3A_38 : vector<1024x1xf32> to vector<1024x128xf32>
    %mul3A_46 = arith.mulf %max3A_20, %mul3A_45 : vector<1024x128xf32>
    %jit3A = arith.constant 0.000000e+00 : f32
    %broadcast_in_dim3A = vector.shape_cast %lt3A_44 : vector<1024x1xi1> to vector<1024x1xi1>
    %broadcast_in_dim3A_47 = vector.broadcast %broadcast_in_dim3A : vector<1024x1xi1> to vector<1024x128xi1>
    %broadcast_in_dim3A_48 = vector.broadcast %jit3A : f32 to vector<1024x128xf32>
    %select_n3A = arith.select %broadcast_in_dim3A_47, %mul3A_46, %broadcast_in_dim3A_48 : vector<1024x128xi1>, vector<1024x128xf32>
    %get3A_49 = arith.constant 0 : index
    %get3A_50 = arith.constant 0 : index
    %get3A_51 = vector.load %arg9[%get3A_49, %get3A_50] : memref<1x128xf32, #tpu.memory_space<vmem>>, vector<1x128xf32>
    %reduce_sum3A = arith.constant dense<0.000000e+00> : vector<128xf32>
    %reduce_sum3A_52 = vector.multi_reduction <add>, %select_n3A, %reduce_sum3A [0] : vector<1024x128xf32> to vector<128xf32>
    %broadcast_in_dim3A_53 = vector.shape_cast %reduce_sum3A_52 : vector<128xf32> to vector<1x128xf32>
    %add3A_54 = arith.addf %get3A_51, %broadcast_in_dim3A_53 : vector<1x128xf32>
    %swap3A = arith.constant 0 : index
    %swap3A_55 = arith.constant 0 : index
    %swap3A_56 = vector.load %arg9[%swap3A, %swap3A_55] : memref<1x128xf32, #tpu.memory_space<vmem>>, vector<1x128xf32>
    tpu.vector_store %arg9[%swap3A, %swap3A_55], %add3A_54 {strides = array<i32>} : memref<1x128xf32, #tpu.memory_space<vmem>>, vector<1x128xf32>,
    %eq3A_57 = arith.constant 9 : i32
    %eq3A_58 = arith.cmpi eq, %arg0, %eq3A_57 : i32
    %convert_element_type3A_59 = arith.extui %eq3A_58 : i1 to i32
    %cond3A_60 = arith.constant 0 : i32
    %cond3A_61 = arith.cmpi ne, %convert_element_type3A_59, %cond3A_60 : i32
    scf.if %cond3A_61 {
      %get3A_62 = arith.constant 0 : index
      %get3A_63 = arith.constant 0 : index
      %get3A_64 = vector.load %arg9[%get3A_62, %get3A_63] : memref<1x128xf32, #tpu.memory_space<vmem>>, vector<1x128xf32>
      %mul3A_65 = arith.constant 9.99999974E-5 : f32
      %mul3A_66 = vector.broadcast %mul3A_65 : f32 to vector<1x128xf32>
      %mul3A_67 = arith.mulf %get3A_64, %mul3A_66 : vector<1x128xf32>
      %get3A_68 = arith.constant 0 : index
      %get3A_69 = arith.constant 0 : index
      %get3A_70 = vector.load %arg6[%get3A_68, %get3A_69] : memref<128x16xf32, #tpu.memory_space<vmem>>, vector<128x16xf32>
      %dot_general3A = arith.constant dense<0.000000e+00> : vector<1x16xf32>
      %dot_general3A_71 = tpu.matmul %mul3A_67, %get3A_70, %dot_general3A {dimension_numbers = #tpu.dot_dimension_numbers<[1], [0], [0], [1], [0, 0, 1, 1], [], []>, transpose_lhs_hint = false} : vector<1x128xf32>, vector<128x16xf32>, vector<1x16xf32> -> vector<1x16xf32>
      %get3A_72 = arith.constant 0 : index
      %get3A_73 = arith.constant 0 : index
      %get3A_74 = vector.load %arg7[%get3A_72, %get3A_73] : memref<1x16xf32, #tpu.memory_space<vmem>>, vector<1x16xf32>
      %add3A_75 = arith.addf %dot_general3A_71, %get3A_74 : vector<1x16xf32>
      %swap3A_76 = arith.constant 0 : index
      %swap3A_77 = arith.constant 0 : index
      %swap3A_78 = vector.load %arg8[%swap3A_76, %swap3A_77] : memref<1x16xf32, #tpu.memory_space<vmem>>, vector<1x16xf32>
      tpu.vector_store %arg8[%swap3A_76, %swap3A_77], %add3A_75 {strides = array<i32>} : memref<1x16xf32, #tpu.memory_space<vmem>>, vector<1x16xf32>,
    } else {
    }
    return
  }
  func.func @transform_0(%arg0: i32) -> (i32, i32, i32) {
    %c0_i32 = arith.constant 0 : i32
    %c0_i32_0 = arith.constant 0 : i32
    %c0_i32_1 = arith.constant 0 : i32
    return %c0_i32, %arg0, %c0_i32_0 : i32, i32, i32
  }
  func.func @transform_1(%arg0: i32) -> (i32, i32) {
    %c0_i32 = arith.constant 0 : i32
    %c0_i32_0 = arith.constant 0 : i32
    return %arg0, %c0_i32 : i32, i32
  }
  func.func @transform_2(%arg0: i32) -> (i32, i32) {
    %c0_i32 = arith.constant 0 : i32
    %c0_i32_0 = arith.constant 0 : i32
    return %arg0, %c0_i32 : i32, i32
  }
  func.func @transform_3(%arg0: i32) -> (i32, i32, i32) {
    %c0_i32 = arith.constant 0 : i32
    %c0_i32_0 = arith.constant 0 : i32
    %c0_i32_1 = arith.constant 0 : i32
    return %c0_i32, %arg0, %c0_i32_0 : i32, i32, i32
  }
  func.func @transform_4(%arg0: i32) -> (i32, i32) {
    %c0_i32 = arith.constant 0 : i32
    %c0_i32_0 = arith.constant 0 : i32
    %c0_i32_1 = arith.constant 0 : i32
    return %c0_i32, %c0_i32_0 : i32, i32
  }
  func.func @transform_5(%arg0: i32) -> (i32, i32) {
    %c0_i32 = arith.constant 0 : i32
    %c0_i32_0 = arith.constant 0 : i32
    %c0_i32_1 = arith.constant 0 : i32
    return %c0_i32, %c0_i32_0 : i32, i32
  }
  func.func @transform_6(%arg0: i32) -> (i32, i32) {
    %c0_i32 = arith.constant 0 : i32
    %c0_i32_0 = arith.constant 0 : i32
    %c0_i32_1 = arith.constant 0 : i32
    return %c0_i32, %c0_i32_0 : i32, i32
  }
  func.func @transform_7(%arg0: i32) -> (i32, i32) {
    %c0_i32 = arith.constant 0 : i32
    %c0_i32_0 = arith.constant 0 : i32
    %c0_i32_1 = arith.constant 0 : i32
    return %c0_i32, %c0_i32_0 : i32, i32
  }
}

</mosaic_0001>

<sc_bundles>
// kernel: kernel.10.cloned.1.call-start
scs
__scs_entry_jumppad:
0x0: {  	(pc) =	sbr.rel $0x88, $3  }
0x1: {  	(tag) =	ssettag $0x0;
	lr =	simm.s32 $0x1  }
0x2: {  	[smem:$0x3F9B] =	sst lr;
	_ =	strace $0xD0000000  }
0x3: {  	_ = 	snop  }
0x4: {  	_ = 	snop  }
0x5: {  	_ = 	snop  }
0x6: {  	_ = 	snop  }
0x7: {  	_ = 	snop  }
__scs_overlays_trampoline_lowered:
0x8: {  	[smem:$0x3FAA] =	sst s0  }
0x9: {  	[smem:$0x3FAB] =	sst s1  }
0xa: {  	[smem:$0x3FAC] =	sst s2  }
0xb: {  	[smem:$0x3FAD] =	sst s3  }
0xc: {  	[smem:$0x3FAE] =	sst s4  }
0xd: {  	[smem:$0x3FAF] =	sst s5  }
0xe: {  	[smem:$0x3FB0] =	sst s6  }
0xf: {  	[smem:$0x3FB1] =	sst s7  }
0x10: {  	[smem:$0x3FB2] =	sst s8  }
0x11: {  	[smem:$0x3FB3] =	sst s9;
	s0 =	simm.s32 @!p0 $0x0  }
0x12: {  	s1 =	sld [smem:$0x3F99];
	s0 =	simm.s32 @p0 $0x1  }
0x13: {  	[smem:$0x3FB4] =	sst s0;
	s0 =	simm.s32 @!p1 $0x0  }
0x14: {  	s2 =	sld [smem:$0x3F98];
	s0 =	simm.s32 @p1 $0x1  }
0x15: {  	[smem:$0x3FB5] =	sst s0;
	s0 =	simm.s32 @!p2 $0x0  }
0x16: {  	s3 =	sld [smem:$0x3FDB];
	s0 =	simm.s32 @p2 $0x1  }
0x17: {  	s4 =	simm.s32 $0x1BF5;
	[smem:$0x3FB7] =	sst s0  }
0x18: {  	s0 =	sld [smem:$0x3F9A];
	_ =	swait.ge [sflag:s4], $0x0  }
0x19: {  	s7 =	sld [smem:$0x3F9B]  }
0x1a: {  	s8 =	sadd.s32 $0xFFFFE003, lr  }
0x1b: {  	s9 =	sadd.s32 $0xFFFFFEF7, lr;
	s5 =	simm.s32 $0xFFFFFFFF;
	p2 =	slt.u32 s8, $0xFFFFF086  }
0x1c: {  	p1 =	slt.u32 s9, $0xF7A;
	s5 =	simm.s32 @!p2 $0x0  }
0x1d: {  	s5 =	simm.s32 @p1 $0x1;
	p0 =	seq.s32 s7, s2  }
0x1e: {  	s7 =	smul.u32 @!p0 $0xF7A, s2;
	p2 =	seq.s32 @!p0 s5, $0x0  }
0x1f: {  	s9 =	smul.u32 $0xF7A, s1;
	s8 =	simm.s32 @!p0 $0x1BF5;
	p2 =	por !p2, p0  }
0x20: {  	[sflag:s8] =	ssyncset.s32 @!p0 $0xFFFFF086;
	s6 =	sadd.s32 @!p0 s3, s7;
	s7 =	simm.s32 @!p0 $0x108  }
0x21: {  	s3 =	sadd.s32 s3, s9;
	s6 =	sadd.s32 @!p0 $0x88, s6;
	s7 =	simm.s32 @p2 $0x1082  }
0x22: {  	[simem:s7], [sflag:s8] =	dma.local @!p0 [hbm:s6], $0xF7A  }
0x23: {  	s9 =	sor.u32 $0xD0000000, s2;
	s6 =	simm.s32 $0x108;
	_ =	swait.ge @!p0 [sflag:s8], $0x0  }
0x24: {  	s3 =	sadd.s32 $0x88, s3;
	s6 =	simm.s32 @!p1 $0x1082;
	[sflag:s4] =	ssyncset.s32 $0xFFFFF086  }
0x25: {  	[simem:s6], [sflag:s4] =	dma.local [hbm:s3], $0xF7A  }
0x26: {  	[smem:$0x3F9B] =	sst s1;
	(tag) =	ssettag s2;
	_ =	strace s9  }
0x27: {  	s1 =	sld [smem:$0x3FAB]  }
0x28: {  	s2 =	sld [smem:$0x3FAC]  }
0x29: {  	s4 =	sld [smem:$0x3FAE]  }
0x2a: {  	p0 =	seq.s32 s5, $0x0;
	s5 =	sld [smem:$0x3FAF]  }
0x2b: {  	s6 =	sld [smem:$0x3FB0]  }
0x2c: {  	s7 =	sld [smem:$0x3FB1]  }
0x2d: {  	s3 =	simm.s32 $0x108;
	s8 =	sld [smem:$0x3FB2]  }
0x2e: {  	s3 =	simm.s32 @!p0 $0x1082;
	s9 =	sld [smem:$0x3FB3]  }
0x2f: {  	lr =	sadd.s32 s0, s3;
	s0 =	sld [smem:$0x3FAA]  }
0x30: {  	s3 =	sld [smem:$0x3FAD]  }
0x31: {  	[smem:$0x3FB6] =	sst s10  }
0x32: {  	s10 =	sld [smem:$0x3FB4];
	_ =	sdelay $0x3  }
0x33: {  	p0 =	seq.s32 s10, $0x1;
	s10 =	sld [smem:$0x3FB6];
	_ =	sdelay $0x3  }
0x34: {  	[smem:$0x3FB6] =	sst s10  }
0x35: {  	s10 =	sld [smem:$0x3FB5];
	_ =	sdelay $0x3  }
0x36: {  	p1 =	seq.s32 s10, $0x1;
	s10 =	sld [smem:$0x3FB6];
	_ =	sdelay $0x3  }
0x37: {  	[smem:$0x3FB6] =	sst s10  }
0x38: {  	s10 =	sld [smem:$0x3FB7]  }
0x39: {  	_ = 	snop;
	(pc) =	sbr.ind lr, $3  }
0x3a: {  	_ = 	snop  }
0x3b: {  	_ = 	snop  }
0x3c: {  	p2 =	seq.s32 s10, $0x1;
	s10 =	sld [smem:$0x3FB6]  }
0x3d: {  	_ =	shalt  }
0x3e: {  	_ =	shalt  }
0x3f: {  	_ =	shalt  }
0x40: {  	_ =	shalt  }
0x41: {  	_ =	shalt  }
0x42: {  	_ =	shalt  }
0x43: {  	_ =	shalt  }
0x44: {  	_ =	shalt  }
0x45: {  	_ =	shalt  }
0x46: {  	_ =	shalt  }
0x47: {  	_ =	shalt  }
0x48: {  	_ =	shalt  }
0x49: {  	_ =	shalt  }
0x4a: {  	_ =	shalt  }
0x4b: {  	_ =	shalt  }
0x4c: {  	_ =	shalt  }
0x4d: {  	_ =	shalt  }
0x4e: {  	_ =	shalt  }
0x4f: {  	_ =	shalt  }
0x50: {  	_ =	shalt  }
0x51: {  	_ =	shalt  }
0x52: {  	_ =	shalt  }
0x53: {  	_ =	shalt  }
0x54: {  	_ =	shalt  }
0x55: {  	_ =	shalt  }
0x56: {  	_ =	shalt  }
0x57: {  	_ =	shalt  }
0x58: {  	_ =	shalt  }
0x59: {  	_ =	shalt  }
0x5a: {  	_ =	shalt  }
0x5b: {  	_ =	shalt  }
0x5c: {  	_ =	shalt  }
0x5d: {  	_ =	shalt  }
0x5e: {  	_ =	shalt  }
0x5f: {  	_ =	shalt  }
0x60: {  	_ =	shalt  }
0x61: {  	_ =	shalt  }
0x62: {  	_ =	shalt  }
0x63: {  	_ =	shalt  }
0x64: {  	_ =	shalt  }
0x65: {  	_ =	shalt  }
0x66: {  	_ =	shalt  }
0x67: {  	_ =	shalt  }
0x68: {  	_ =	shalt  }
0x69: {  	_ =	shalt  }
0x6a: {  	_ =	shalt  }
0x6b: {  	_ =	shalt  }
0x6c: {  	_ =	shalt  }
0x6d: {  	_ =	shalt  }
0x6e: {  	_ =	shalt  }
0x6f: {  	_ =	shalt  }
0x70: {  	_ =	shalt  }
0x71: {  	_ =	shalt  }
0x72: {  	_ =	shalt  }
0x73: {  	_ =	shalt  }
0x74: {  	_ =	shalt  }
0x75: {  	_ =	shalt  }
0x76: {  	_ =	shalt  }
0x77: {  	_ =	shalt  }
0x78: {  	_ =	shalt  }
0x79: {  	_ =	shalt  }
0x7a: {  	_ =	shalt  }
0x7b: {  	_ =	shalt  }
0x7c: {  	_ =	shalt  }
0x7d: {  	_ =	shalt  }
0x7e: {  	_ =	shalt  }
0x7f: {  	_ =	shalt  }
0x80: {  	_ =	shalt  }
0x81: {  	_ =	shalt  }
0x82: {  	_ =	shalt  }
0x83: {  	_ =	shalt  }
0x84: {  	_ =	shalt  }
0x85: {  	_ =	shalt  }
0x86: {  	_ =	shalt  }
0x87: {  	_ =	shalt  }
.Lfunc_end0:
.L_simem_size_0:
called_computation.1_lowered:
.L_overlay_start_0:
0x88: {  	s2 =	sld [smem:$0x3FD9]  }
0x89: {  	s3 =	sld [smem:$0x3FFE];
	_ =	sdelay $0x1  }
0x8a: {  	s1 =	srdreg.scid  }
0x8b: {  	s0 =	sand.u32 $0x1, s1  }
0x8c: {  	s16 =	sshll.u32 s0, $0xA;
	s2 =	sadd.s32 s3, s2  }
0x8d: {  	s2 =	sadd.s32 s2, s16  }
0x8e: {  	[smem:$0x3FC2] =	sst s2  }
0x8f: {  	_ = 	snop  }
0x90: {  	(tm) =	ssettm $0x1  }
0x91: {  	s17 =	sld [smem:$0x3FFB];
	_ =	sdelay $0x3  }
0x92: {  	_ =	strace s17  }
0x93: {  	s2 =	sld [smem:$0x3FFC];
	_ =	sdelay $0x3  }
0x94: {  	_ =	strace s2  }
0x95: {  	s2 =	sld [smem:$0x3FFD];
	_ =	sdelay $0x3  }
0x96: {  	_ =	strace s2  }
0x97: {  	_ =	strace $0x8FFFFFFF  }
0x98: {  	s18 =	sld [smem:$0x3FDB];
	_ =	sdelay $0x1  }
0x99: {  	s19 =	simm.s32 $_scs_section_size  }
0x9a: {  	s4 =	simm.s32 $_size__tile_overlayer_lowered;
	s5 =	simm.s32 $_tile_overlayer_lowered  }
0x9b: {  	s22 =	simm.s32 $0x1BFF;
	s21 =	sshll.u32 s5, $0x1;
	s2 =	sadd.s32 s19, s18  }
0x9c: {  	s6 =	simm.s32 $0x0;
	s20 =	sshll.u32 s4, $0x1;
	s4 =	sadd.s32 s21, s2  }
0x9d: {  	[timem:s6], [sflag:s22] =	dma.local [hbm:s4], s20  }
0x9e: {  	_ =	swait.ge [sflag:s22], s20  }
0x9f: {  	s3 =	ssub.s32 $0x0, s20;
	[sflag:s22] =	ssyncset.done $0x0  }
0xa0: {  	[sflag:s22] =	ssyncadd.s32 s3;
	_ =	sdelay $0x1  }
0xa1: {  	s23 =	simm.s32 $0x1B8B  }
0xa2: {  	_ =	swait.ge [sflag:s23], $0x1  }
0xa3: {  	[sflag:s23] =	ssyncset.done $0x0  }
0xa4: {  	s25 =	simm.s32 $0x1B8E;
	s24 =	sld [smem:$0x3FFE];
	[sflag:s23] =	ssyncadd.s32 $0xFFFFFFFF  }
0xa5: {  	s26 =	simm.s32 $execute0_lowered;
	[smem:$0x3FD2] =	sst s25  }
0xa6: {  	s4 =	sshll.u32 s26, $0x1;
	_ =	strace $0x80000049;
	[dreg:$0x1] =	wrdreg $0xFFFFFFFF  }
0xa7: {  	s28 =	simm.s32 $_size_execute0_lowered;
	s2 =	sadd.s32 s2, s4;
	[dreg:$0x0] =	wrdreg $0x0  }
0xa8: {  	s4 =	sshll.u32 s28, $0x1;
	[dreg:$0x2] =	wrdreg s2  }
0xa9: {  	[dreg:$0x3] =	wrdreg s4  }
0xaa: {  	[dreg:$0x4] =	wrdreg $0xC0  }
0xab: {  	_ =	task [dreg:s6], $0x5FFFF  }
0xac: {  	[dreg:$0x1] =	wrdreg $0xFFFFFFFF  }
0xad: {  	[dreg:$0x0] =	wrdreg $0x60  }
0xae: {  	[dreg:$0x2] =	wrdreg s24  }
0xaf: {  	[dreg:$0x3] =	wrdreg $0x5DC00  }
0xb0: {  	[dreg:$0x4] =	wrdreg $0xFA000  }
0xb1: {  	[dreg:$0x5] =	wrdreg $0xFC780  }
0xb2: {  	[dreg:$0x6] =	wrdreg $0x9  }
0xb3: {  	_ =	task.clear_ibuf [dreg:s6], $0x7FFFF;
	_ =	strace $0x90000049  }
0xb4: {  	s29 =	simm.s32 $0x9;
	_ =	strace $0x8000004B  }
0xb5: {  	_ =	swait.ge [sflag:s29], $0x1  }
0xb6: {  	[sflag:s29] =	ssyncadd.s32 $0xFFFFFFFF  }
0xb7: {  	_ =	strace $0x9000004B  }
0xb8: {  	_ =	sfence  }
0xb9: {  	s30 =	sld [smem:$0x0];
	_ =	sdelay $0x2  }
0xba: {  	s31 =	sshll.u32 s1, $0xD;
	s1 =	sshrl.u32 s1, $0x2  }
0xbb: {  	s3 =	sand.u32 $0x4000, s31;
	s1 =	sadd.s32 s1, s30  }
0xbc: {  	s0 =	sor.u32 s3, s0;
	s1 =	sshll.u32 s1, $0x11  }
0xbd: {  	s0 =	sor.u32 s1, s0  }
0xbe: {  	s0 =	sadd.s32 $0x8F2B, s0  }
0xbf: {  	[sflag:s0] =	ssyncadd.remote.s32 $0x1  }
0xc0: {  	_ =	sfence.sel $0xFFFF  }
0xc1: {  	[dreg:$0x0] =	wrdreg $0xFFFFFFFF;
	(pc) =	sbr.abs _section_cstart, $3  }
0xc2: {  	[dreg:$0x1] =	wrdreg $0xFFFFFFFF  }
0xc3: {  	_ =	task.clear_ibuf [dreg:s6], $0x2FFFF;
	_ =	strace $0x9FFFFFFF  }
0xc4: {  	(tm) =	ssettm $0x7FFFFFFF  }
0xc5: {  	_ =	shalt  }
tec
execute0_lowered:
.L_overlay_start_1:
0x0: {  	(tag) =	ssettag $0x1  }
0x1: {  	s0 =	rddreg [dreg:$0x0]  }
0x2: {  	s1 =	rddreg [dreg:$0x1]  }
0x3: {  	s2 =	rddreg [dreg:$0x2]  }
0x4: {  	s3 =	rddreg [dreg:$0x3];
	s5 =	srdreg.scid;
	s4 =	simm.s32 $0x0  }
0x5: {  	s28 =	simm.s32 $0xC;
	s29 =	simm.s32 $0x10;
	s30 =	simm.s32 $0x9  }
0x6: {  	s31 =	simm.s32 $0xD;
	s8 =	sand.u32 $0x1, s5;
	[smem:$0x7FF] =	sst s4  }
0x7: {  	s6 =	sadd.s32 $0x1E00, s0;
	s5 =	stileid.u32;
	s7 =	sadd.s32 $0xBC00, s0  }
0x8: {  	s10 =	sadd.s32 $0x15A00, s0;
	s19 =	sadd.s32 $0x35A00, s0;
	s9 =	smul.u32 $0x9C400, s8  }
0x9: {  	_ =	strace $0x8000004A;
	s14 =	smul.u32 $0x9E00, s5;
	[dreg:$0x5] =	wrdreg s10  }
0xa: {  	s16 =	sadd.s32 $0x5D200, s0;
	[dreg:$0x6] =	wrdreg s19;
	s13 =	smul.u32 $0x4E2, s8  }
0xb: {  	s8 =	ssub.s32 $0x2, s8;
	s10 =	smul.u32 $0x4E20, s5;
	p0 =	sne.s32 s5, $0xF  }
0xc: {  	p3 =	seq.s32 s5, $0xF;
	s17 =	sshrl.u32 s8, $0x1;
	p2 =	sne.s32 @p0 s5, $0x0  }
0xd: {  	s11 =	sshrl.u32 s9, $0x3;
	s15 =	sshrl.u32 s14, $0x3;
	s18 =	sadd.s32 s13, s0  }
0xe: {  	s8 =	ssub.s32 s8, s17;
	s20 =	sshrl.u32 s10, $0x3;
	s9 =	sadd.s32 s14, s9  }
0xf: {  	p1 =	por p2, !p0;
	p2 =	por !p2, !p0;
	s12 =	sadd.s32 s11, s0  }
0x10: {  	s15 =	sadd.s32 s15, s0;
	s21 =	sadd.s32 s6, s20;
	s13 =	sadd.s32 s7, s20  }
0x11: {  	s0 =	sadd.s32 $0x28840, s0;
	s22 =	sshrl.u32 s9, $0x3;
	s23 =	sadd.s32 s16, s11  }
0x12: {  	s25 =	sadd.s32 $0x29A00, s18;
	s26 =	smax.u32 s8, $0x1;
	[dreg:$0x7] =	wrdreg s21  }
0x13: {  	s8 =	simm.s32 $0x12;
	s9 =	simm.s32 $0x0;
	[dreg:$0x8] =	wrdreg s13  }
0x14: {  	s13 =	sadd.s32 s14, s1;
	s15 =	sadd.s32 $0x16000, s15;
	[dreg:$0xa] =	wrdreg s0  }
0x15: {  	s17 =	sadd.s32 $0x36000, s12;
	s0 =	sadd.s32 s16, s22;
	[dreg:$0xd] =	wrdreg s25  }
.Ltmp0:
0x16: {  	s24 =	sadd.s32 $0x12840, s23;
	[dreg:$0xe] =	wrdreg s26;
	(pc) =	sbr.rel .LBB2_1-.Ltmp0, $4  }
0x17: {  	s22 =	simm.s32 $0x13;
	s25 =	simm.s32 $0xE;
	[dreg:$0x9] =	wrdreg s15  }
0x18: {  	s26 =	simm.s32 $0x11;
	[dreg:$0xb] =	wrdreg s0;
	s0 =	simm.s32 @!p2 $0x0  }
0x19: {  	s15 =	sadd.s32 $0x94200, s1;
	[dreg:$0xc] =	wrdreg s24;
	s0 =	simm.s32 @p2 $0x1  }
0x1a: {  	s24 =	simm.s32 $0x50;
	[smem:$0x7FD] =	sst s0;
	s0 =	simm.s32 $0xA  }
.LBB2_9:
0x1b: {  	_ =	swait.ge [sflag:s28], $0x1400  }
0x1c: {  	[sflag:s28] =	ssyncset.done $0x0  }
0x1d: {  	[sflag:s28] =	ssyncadd.s32 $0xFFFFEC00  }
0x1e: {  	_ =	swait.ge [sflag:s29], $0x50  }
0x1f: {  	[sflag:s29] =	ssyncset.done $0x0  }
0x20: {  	[sflag:s29] =	ssyncadd.s32 $0xFFFFFFB0  }
0x21: {  	_ =	swait.ge [sflag:s30], $0x1400  }
0x22: {  	[sflag:s30] =	ssyncset.done $0x0  }
0x23: {  	[sflag:s30] =	ssyncadd.s32 $0xFFFFEC00  }
0x24: {  	_ =	swait.ge [sflag:s31], $0x50  }
0x25: {  	[sflag:s31] =	ssyncset.done $0x0  }
0x26: {  	[sflag:s31] =	ssyncadd.s32 $0xFFFFFFB0  }
0x27: {  	_ =	swait.ge [sflag:s0], $0x1400  }
0x28: {  	[sflag:s0] =	ssyncset.done $0x0  }
0x29: {  	[sflag:s0] =	ssyncadd.s32 $0xFFFFEC00  }
0x2a: {  	_ =	swait.ge [sflag:s25], $0x50  }
0x2b: {  	[sflag:s25] =	ssyncset.done $0x0  }
0x2c: {  	[sflag:s25] =	ssyncadd.s32 $0xFFFFFFB0  }
0x2d: {  	[bflag:$0x0] =	sbarrier.arrive $0xFFFF  }
0x2e: {  	s11 =	sshrl.u32 @p3 s15, $0x3;
	s12 =	simm.s32 @p3 $0x1FD3;
	s14 =	rddreg [dreg:$0xc]  }
0x2f: {  	[hbm:s14], [sflag:s12] =	dma.local @p3 [spmem:s11], $0x1040  }
0x30: {  	s11 =	simm.s32 @p3 $0x13  }
0x31: {  	_ =	swait.ge @p3 [sflag:s11], $0x1040  }
0x32: {  	s12 =	sshll.u32 @!p3 s5, $0x6;
	[sflag:s11] =	ssyncset.done @p3 $0x0;
	s14 =	rddreg [dreg:$0xb]  }
0x33: {  	[sflag:s11] =	ssyncadd.s32 @p3 $0xFFFFEFC0;
	s11 =	sor.u32 @!p3 $0x1C13, s12;
	s12 =	sshrl.u32 @!p3 s13, $0x3  }
0x34: {  	[hbm:s14], [sflag:s11] =	dma.local @!p3 [spmem:s12], $0x13C0  }
0x35: {  	s11 =	simm.s32 @!p3 $0x13  }
0x36: {  	_ =	swait.ge @!p3 [sflag:s11], $0x13C0  }
0x37: {  	s12 =	sshll.u32 @p4 s5, $0x6;
	[sflag:s11] =	ssyncset.done @!p3 $0x0;
	s14 =	rddreg [dreg:$0xd]  }
0x38: {  	[sflag:s11] =	ssyncadd.s32 @!p3 $0xFFFFEC40;
	s11 =	sor.u32 @p4 $0x1C13, s12;
	s12 =	sshrl.u32 @p4 s2, $0x3  }
0x39: {  	[hbm:s14], [sflag:s11] =	dma.local @p4 [spmem:s12], $0x4E2  }
0x3a: {  	s11 =	simm.s32 @p4 $0x13  }
0x3b: {  	_ =	swait.ge @p4 [sflag:s11], $0x4E2  }
0x3c: {  	s9 =	sadd.s32 $0x1, s9;
	s23 =	rddreg [dreg:$0xe]  }
0x3d: {  	p2 =	sne.s32 s9, s23  }
.Ltmp1:
0x3e: {  	_ = 	snop;
	(pc) =	sbr.rel @!p2 .LBB2_10-.Ltmp1, $3  }
0x3f: {  	_ =	sdelay $0x1  }
0x40: {  	[sflag:s11] =	ssyncset.done @p4 $0x0  }
0x41: {  	[sflag:s11] =	ssyncadd.s32 @p4 $0xFFFFFB1E  }
.LBB2_1:
0x42: {  	s11 =	rddreg [dreg:$0x7]  }
0x43: {  	[tilespmem:s4], [sflag:$0x13] =	stream.linear.gather [hbm4b:s11+s4], $0x320, $0x38;
	[tilespmem:$0xFEF0] =	vst v63  }
0x44: {  	_ =	swait.ge [sflag:s22], $0x320  }
0x45: {  	[sflag:s22] =	ssyncset.done $0x0  }
0x46: {  	s18 =	simm.s32 $0x640;
	s19 =	rddreg [dreg:$0x8];
	[sflag:s22] =	ssyncadd.s32 $0xFFFFFCE0  }
0x47: {  	[tilespmem:s18], [sflag:$0x13] =	stream.linear.gather [hbm4b:s19+s4], $0x320, $0x38;
	[tilespmem:$0xFEF0] =	vst v63  }
0x48: {  	_ =	swait.ge [sflag:s22], $0x320  }
0x49: {  	s12 =	sshrl.u32 @p0 s13, $0x3;
	s11 =	sshll.u32 @p0 s5, $0x6;
	[sflag:s22] =	ssyncset.done $0x0  }
0x4a: {  	s11 =	sor.u32 @p0 $0x1C13, s11;
	s14 =	rddreg [dreg:$0x9];
	[sflag:s22] =	ssyncadd.s32 $0xFFFFFCE0  }
0x4b: {  	[spmem:s12], [sflag:s11] =	dma.local @p0 [hbm:s14], $0x13C0  }
0x4c: {  	s11 =	simm.s32 @p0 $0x13  }
0x4d: {  	_ =	swait.ge @p0 [sflag:s11], $0x13C0  }
0x4e: {  	s12 =	simm.s32 @!p1 $0x1C13;
	[sflag:s11] =	ssyncset.done @p0 $0x0  }
0x4f: {  	s14 =	rddreg [dreg:$0x6];
	[sflag:s11] =	ssyncadd.s32 @p0 $0xFFFFEC40;
	s11 =	sshrl.u32 @!p1 s2, $0x3  }
0x50: {  	[spmem:s11], [sflag:s12] =	dma.local @!p1 [hbm:s14], $0x4E2  }
0x51: {  	s11 =	simm.s32 @!p1 $0x13  }
0x52: {  	_ =	swait.ge @!p1 [sflag:s11], $0x4E2  }
0x53: {  	[sflag:s11] =	ssyncset.done @!p1 $0x0  }
0x54: {  	s14 =	sshrl.u32 @!p1 s3, $0x3;
	s16 =	rddreg [dreg:$0x5];
	[sflag:s11] =	ssyncadd.s32 @!p1 $0xFFFFFB1E  }
0x55: {  	[spmem:s14], [sflag:s12] =	dma.local @!p1 [hbm:s16], $0x4E2  }
0x56: {  	_ =	swait.ge @!p1 [sflag:s11], $0x4E2  }
0x57: {  	s12 =	simm.s32 @!p0 $0x1FD3;
	[sflag:s11] =	ssyncset.done @!p1 $0x0  }
0x58: {  	s14 =	rddreg [dreg:$0xa];
	[sflag:s11] =	ssyncadd.s32 @!p1 $0xFFFFFB1E;
	s11 =	sshrl.u32 @!p0 s15, $0x3  }
0x59: {  	[spmem:s11], [sflag:s12] =	dma.local @!p0 [hbm:s14], $0x1040  }
0x5a: {  	s11 =	simm.s32 @!p0 $0x13  }
0x5b: {  	_ =	swait.ge @!p0 [sflag:s11], $0x1040  }
0x5c: {  	[sflag:s11] =	ssyncset.done @!p0 $0x0  }
0x5d: {  	[sflag:s11] =	ssyncadd.s32 @!p0 $0xFFFFEFC0  }
0x5e: {  	s20 =	simm.s32 $0xC80;
	[bflag:$0x0] =	sbarrier.arrive $0xFFFF  }
0x5f: {  	[tilespmem:s20], [sflag:$0x1] =	stream.indirect.gather [hbm4b:s17+s24], $0x40, s4, s24, $0xb8;
	[tilespmem:$0xFEF0] =	vst v63  }
0x60: {  	s23 =	sld [smem:$0x7FD]  }
0x61: {  	s21 =	simm.s32 $0x5C80  }
0x62: {  	[tilespmem:s21], [sflag:$0x5] =	stream.indirect.gather [spmem:s3], $0x1, s18, s24, $0xb8;
	[tilespmem:$0xFEF0] =	vst v63  }
0x63: {  	p5 =	por @p0 $0x0, $0x0;
	p4 =	por @!p1 $0x1, $0x1;
	p2 =	seq.s32 s23, $0x1  }
0x64: {  	p4 =	por @!p2 p5, p5;
	p5 =	por @!p0 $0x0, $0x0  }
0x65: {  	s11 =	simm.s32 $0x0;
	p4 =	por @!p0 p5, p5  }
.LBB2_2:
0x66: {  	s12 =	smul.u32 $0xCD, s11;
	_ =	sdelay $0x1  }
0x67: {  	s14 =	sadd.s32 $0x1, s11;
	s12 =	sshrl.u32 s12, $0xB  }
0x68: {  	p6 =	slt.u32 s11, $0x3;
	s18 =	sand.u32 $0x3, s14;
	s12 =	sand.u32 $0x1F, s12  }
0x69: {  	s19 =	sadd.s32 @!p6 $0x9, s18;
	s16 =	smul.u32 $0xA, s12  }
0x6a: {  	_ =	swait.ge @!p6 [sflag:s19], $0x1400  }
0x6b: {  	p5 =	sgt.u32 s11, $0xEF;
	[sflag:s19] =	ssyncset.done @!p6 $0x0;
	s16 =	ssub.s32 s11, s16  }
0x6c: {  	[sflag:s19] =	ssyncadd.s32 @!p6 $0xFFFFEC00;
	s19 =	sand.u32 @!p5 $0xFF, s16  }
0x6d: {  	p2 =	sne.s32 @!p5 s19, $0x3  }
0x6e: {  	p2 =	por p5, p2  }
.Ltmp2:
0x6f: {  	_ = 	snop;
	(pc) =	sbr.rel @p2 .LBB2_4-.Ltmp2, $4  }
0x70: {  	s20 =	sadd.s32 @!p6 $0xD, s18  }
0x71: {  	_ =	swait.ge @!p6 [sflag:s20], $0x50  }
0x72: {  	[sflag:s20] =	ssyncset.done @!p6 $0x0  }
0x73: {  	[sflag:s20] =	ssyncadd.s32 @!p6 $0xFFFFFFB0  }
0x74: {  	s19 =	sadd.s32 $0x1, s12  }
0x75: {  	s20 =	smul.u32 $0x320, s19  }
0x76: {  	s19 =	sand.u32 $0x1, s19  }
0x77: {  	p2 =	seq.s32 s19, $0x1;
	s20 =	sadd.s32 s10, s20  }
.Ltmp3:
0x78: {  	s19 =	simm.s32 $0x320;
	s20 =	sshrl.u32 s20, $0x3;
	(pc) =	sbr.rel .LBB2_7-.Ltmp3, $4  }
0x79: {  	s19 =	simm.s32 @!p2 $0x0;
	s23 =	sadd.s32 s6, s20  }
0x7a: {  	[tilespmem:s19], [sflag:$0x11] =	stream.linear.gather [hbm4b:s23+s4], $0x320, $0x38;
	[tilespmem:$0xFEF0] =	vst v63  }
0x7b: {  	s20 =	sadd.s32 s7, s20;
	s19 =	sadd.s32 $0x640, s19  }
0x7c: {  	[tilespmem:s19], [sflag:$0x12] =	stream.linear.gather [hbm4b:s20+s4], $0x320, $0x38;
	[tilespmem:$0xFEF0] =	vst v63  }
.LBB2_4:
0x7d: {  	p2 =	sne.s32 @!p5 s19, $0x9  }
0x7e: {  	p2 =	por p5, p2  }
.Ltmp4:
0x7f: {  	_ = 	snop;
	(pc) =	sbr.rel @p2 .LBB2_6-.Ltmp4, $1  }
0x80: {  	_ =	sdelay $0x3  }
0x81: {  	_ =	swait.ge [sflag:s26], $0x320  }
0x82: {  	[sflag:s26] =	ssyncset.done $0x0  }
0x83: {  	[sflag:s26] =	ssyncadd.s32 $0xFFFFFCE0  }
0x84: {  	_ =	swait.ge [sflag:s8], $0x320  }
0x85: {  	[sflag:s8] =	ssyncset.done $0x0  }
0x86: {  	[sflag:s8] =	ssyncadd.s32 $0xFFFFFCE0  }
.LBB2_7:
0x87: {  	s19 =	sand.u32 $0xFF, s14  }
0x88: {  	s19 =	smul.u32 $0xCD, s19;
	_ =	sdelay $0x1  }
0x89: {  	s19 =	sshrl.u32 s19, $0xB  }
0x8a: {  	s20 =	smul.u32 $0xA, s19;
	_ =	sdelay $0x1  }
0x8b: {  	s23 =	smul.u32 $0x5000, s18;
	s20 =	ssub.s32 s14, s20  }
0x8c: {  	s21 =	smul.u32 $0x140, s18;
	s19 =	sand.u32 $0x1, s19;
	s20 =	sand.u32 $0xFF, s20  }
0x8d: {  	p2 =	seq.s32 s19, $0x1;
	s19 =	simm.s32 $0x320;
	s20 =	smul.u32 $0x50, s20  }
0x8e: {  	s23 =	sshrl.u32 s23, $0x2;
	s21 =	sshrl.u32 s21, $0x2;
	s19 =	simm.s32 @!p2 $0x0  }
0x8f: {  	s23 =	sadd.s32 $0xC80, s23;
	s19 =	sadd.s32 s20, s19;
	s20 =	sadd.s32 $0x1, s18  }
0x90: {  	[tilespmem:s23], [sflag:s20] =	stream.indirect.gather [hbm4b:s17+s24], $0x40, s19, s24, $0xb8;
	[tilespmem:$0xFEF0] =	vst v63  }
0x91: {  	s20 =	sadd.s32 $0x5C80, s21;
	s19 =	sadd.s32 $0x640, s19;
	s23 =	sadd.s32 $0x5, s18  }
0x92: {  	[tilespmem:s20], [sflag:s23] =	stream.indirect.gather [spmem:s3], $0x1, s19, s24, $0xb8;
	[tilespmem:$0xFEF0] =	vst v63  }
.LBB2_8:
0x93: {  	s11 =	sand.u32 $0x3, s11;
	s16 =	sand.u32 $0xFF, s16  }
0x94: {  	s12 =	sand.u32 $0x1, s12;
	s18 =	sadd.s32 $0x1, s11;
	s23 =	sadd.s32 $0x5, s11  }
0x95: {  	s19 =	smul.u32 $0x5000, s11;
	p2 =	seq.s32 s12, $0x1;
	_ =	swait.ge [sflag:s18], $0x1400  }
0x96: {  	s12 =	simm.s32 $0x320;
	s16 =	smul.u32 $0x50, s16;
	[sflag:s18] =	ssyncset.done $0x0  }
0x97: {  	s21 =	sadd.s32 $0x9, s11;
	s20 =	smul.u32 $0x140, s11;
	[sflag:s18] =	ssyncadd.s32 $0xFFFFEC00  }
0x98: {  	s12 =	simm.s32 @!p2 $0x0;
	p2 =	sne.s32 s14, $0xFA;
	_ =	swait.ge [sflag:s23], $0x50  }
0x99: {  	s19 =	sshrl.u32 s19, $0x2;
	s12 =	sadd.s32 s16, s12;
	[sflag:s23] =	ssyncset.done $0x0  }
0x9a: {  	s19 =	sadd.s32 $0xC80, s19;
	s16 =	sadd.s32 $0x640, s12;
	[sflag:s23] =	ssyncadd.s32 $0xFFFFFFB0  }
0x9b: {  	[spmem:s1] =	stream.indirect.scatter.add.f32 [tilespmem:s19], [sflag:s21], $0x40, s16, s24, $0xb8;
	[tilespmem:$0xFEF0] =	vst v63  }
.Ltmp5:
0x9c: {  	_ = 	snop;
	(pc) =	sbr.rel @p2 .LBB2_2-.Ltmp5, $4  }
.Ltmp6:
0x9d: {  	s23 =	sshrl.u32 s20, $0x2;
	(pc) =	sbr.rel @!p2 .LBB2_9-.Ltmp6, $4  }
0x9e: {  	s11 =	sadd.s32 $0xD, s11;
	s16 =	sadd.s32 $0x5C80, s23  }
0x9f: {  	[spmem:s2] =	stream.indirect.scatter.add.f32 [tilespmem:s16], [sflag:s11], $0x1, s12, s24, $0xb8;
	[tilespmem:$0xFEF0] =	vst v63  }
0xa0: {  	s11 =	smov.u32 s14  }
0xa1: {  	_ = 	snop  }
.LBB2_6:
0xa2: {  	p2 =	seq.s32 s11, $0xF9  }
.Ltmp7:
0xa3: {  	_ = 	snop;
	(pc) =	sbr.rel @p2 .LBB2_8-.Ltmp7, $4  }
.Ltmp8:
0xa4: {  	_ = 	snop;
	(pc) =	sbr.rel @!p2 .LBB2_7-.Ltmp8, $4  }
0xa5: {  	_ = 	snop  }
0xa6: {  	_ = 	snop  }
0xa7: {  	_ = 	snop  }
0xa8: {  	_ = 	snop  }
.LBB2_10:
0xa9: {  	_ =	sfence.sel $0x180000  }
0xaa: {  	[bflag:$0x0] =	sbarrier.arrive $0xFFFF  }
0xab: {  	_ =	strace $0x9000004A  }
0xac: {  	[bflag:$0x2] =	sbarrier.arrive $0xFFFF  }
0xad: {  	p0 =	sne.s32 s5, $0x0;
	s0 =	rddreg [dreg:$0x4]  }
0xae: {  	s0 =	sadd.s32 @!p0 $0x100000, s0  }
0xaf: {  	[sflag:s0] =	ssyncadd.tile.s32 @!p0 $0x1;
	_ =	shalt  }
.Lfunc_end2:
_tile_overlayer_lowered:
.L_overlay_start_2:
0xb0: {  	(tag) =	ssettag $0x2  }
0xb1: {  	s0 =	rddreg [dreg:$0x0];
	s2 =	stileid.u32  }
0xb2: {  	s1 =	rddreg [dreg:$0x1];
	p0 =	sne.s32 s2, $0x0  }
0xb3: {  	s3 =	rddreg [dreg:$0x2];
	[bflag:$0x3] =	sbarrier.arrive $0xFFFF;
	s2 =	simm.s32 @!p0 $0x1C13  }
0xb4: {  	[timem:s3], [sflag:s2] =	dma.local @!p0 [hbm:s0], s1  }
0xb5: {  	s0 =	simm.s32 @!p0 $0x13  }
0xb6: {  	_ =	swait.ge @!p0 [sflag:s0], s1  }
0xb7: {  	s1 =	ssub.s32 @!p0 $0x0, s1;
	[sflag:s0] =	ssyncset.done @!p0 $0x0  }
0xb8: {  	[sflag:s0] =	ssyncadd.s32 @!p0 s1  }
0xb9: {  	[bflag:$0x3] =	sbarrier.arrive $0xFFFF  }
0xba: {  	_ =	shalt  }

// kernel: kernel.7.cloned.1.call-start
scs
__scs_entry_jumppad:
0x0: {  	(pc) =	sbr.rel $0x88, $3  }
0x1: {  	(tag) =	ssettag $0x0;
	lr =	simm.s32 $0x1  }
0x2: {  	[smem:$0x3F9B] =	sst lr;
	_ =	strace $0xD0000000  }
0x3: {  	_ = 	snop  }
0x4: {  	_ = 	snop  }
0x5: {  	_ = 	snop  }
0x6: {  	_ = 	snop  }
0x7: {  	_ = 	snop  }
__scs_overlays_trampoline_lowered:
0x8: {  	[smem:$0x3FAA] =	sst s0  }
0x9: {  	[smem:$0x3FAB] =	sst s1  }
0xa: {  	[smem:$0x3FAC] =	sst s2  }
0xb: {  	[smem:$0x3FAD] =	sst s3  }
0xc: {  	[smem:$0x3FAE] =	sst s4  }
0xd: {  	[smem:$0x3FAF] =	sst s5  }
0xe: {  	[smem:$0x3FB0] =	sst s6  }
0xf: {  	[smem:$0x3FB1] =	sst s7  }
0x10: {  	[smem:$0x3FB2] =	sst s8  }
0x11: {  	[smem:$0x3FB3] =	sst s9;
	s0 =	simm.s32 @!p0 $0x0  }
0x12: {  	s1 =	sld [smem:$0x3F99];
	s0 =	simm.s32 @p0 $0x1  }
0x13: {  	[smem:$0x3FB4] =	sst s0;
	s0 =	simm.s32 @!p1 $0x0  }
0x14: {  	s2 =	sld [smem:$0x3F98];
	s0 =	simm.s32 @p1 $0x1  }
0x15: {  	[smem:$0x3FB5] =	sst s0;
	s0 =	simm.s32 @!p2 $0x0  }
0x16: {  	s3 =	sld [smem:$0x3FDB];
	s0 =	simm.s32 @p2 $0x1  }
0x17: {  	s4 =	simm.s32 $0x1BF5;
	[smem:$0x3FB7] =	sst s0  }
0x18: {  	s0 =	sld [smem:$0x3F9A];
	_ =	swait.ge [sflag:s4], $0x0  }
0x19: {  	s7 =	sld [smem:$0x3F9B]  }
0x1a: {  	s8 =	sadd.s32 $0xFFFFE003, lr  }
0x1b: {  	s9 =	sadd.s32 $0xFFFFFEF7, lr;
	s5 =	simm.s32 $0xFFFFFFFF;
	p2 =	slt.u32 s8, $0xFFFFF086  }
0x1c: {  	p1 =	slt.u32 s9, $0xF7A;
	s5 =	simm.s32 @!p2 $0x0  }
0x1d: {  	s5 =	simm.s32 @p1 $0x1;
	p0 =	seq.s32 s7, s2  }
0x1e: {  	s7 =	smul.u32 @!p0 $0xF7A, s2;
	p2 =	seq.s32 @!p0 s5, $0x0  }
0x1f: {  	s9 =	smul.u32 $0xF7A, s1;
	s8 =	simm.s32 @!p0 $0x1BF5;
	p2 =	por !p2, p0  }
0x20: {  	[sflag:s8] =	ssyncset.s32 @!p0 $0xFFFFF086;
	s6 =	sadd.s32 @!p0 s3, s7;
	s7 =	simm.s32 @!p0 $0x108  }
0x21: {  	s3 =	sadd.s32 s3, s9;
	s6 =	sadd.s32 @!p0 $0x88, s6;
	s7 =	simm.s32 @p2 $0x1082  }
0x22: {  	[simem:s7], [sflag:s8] =	dma.local @!p0 [hbm:s6], $0xF7A  }
0x23: {  	s9 =	sor.u32 $0xD0000000, s2;
	s6 =	simm.s32 $0x108;
	_ =	swait.ge @!p0 [sflag:s8], $0x0  }
0x24: {  	s3 =	sadd.s32 $0x88, s3;
	s6 =	simm.s32 @!p1 $0x1082;
	[sflag:s4] =	ssyncset.s32 $0xFFFFF086  }
0x25: {  	[simem:s6], [sflag:s4] =	dma.local [hbm:s3], $0xF7A  }
0x26: {  	[smem:$0x3F9B] =	sst s1;
	(tag) =	ssettag s2;
	_ =	strace s9  }
0x27: {  	s1 =	sld [smem:$0x3FAB]  }
0x28: {  	s2 =	sld [smem:$0x3FAC]  }
0x29: {  	s4 =	sld [smem:$0x3FAE]  }
0x2a: {  	p0 =	seq.s32 s5, $0x0;
	s5 =	sld [smem:$0x3FAF]  }
0x2b: {  	s6 =	sld [smem:$0x3FB0]  }
0x2c: {  	s7 =	sld [smem:$0x3FB1]  }
0x2d: {  	s3 =	simm.s32 $0x108;
	s8 =	sld [smem:$0x3FB2]  }
0x2e: {  	s3 =	simm.s32 @!p0 $0x1082;
	s9 =	sld [smem:$0x3FB3]  }
0x2f: {  	lr =	sadd.s32 s0, s3;
	s0 =	sld [smem:$0x3FAA]  }
0x30: {  	s3 =	sld [smem:$0x3FAD]  }
0x31: {  	[smem:$0x3FB6] =	sst s10  }
0x32: {  	s10 =	sld [smem:$0x3FB4];
	_ =	sdelay $0x3  }
0x33: {  	p0 =	seq.s32 s10, $0x1;
	s10 =	sld [smem:$0x3FB6];
	_ =	sdelay $0x3  }
0x34: {  	[smem:$0x3FB6] =	sst s10  }
0x35: {  	s10 =	sld [smem:$0x3FB5];
	_ =	sdelay $0x3  }
0x36: {  	p1 =	seq.s32 s10, $0x1;
	s10 =	sld [smem:$0x3FB6];
	_ =	sdelay $0x3  }
0x37: {  	[smem:$0x3FB6] =	sst s10  }
0x38: {  	s10 =	sld [smem:$0x3FB7]  }
0x39: {  	_ = 	snop;
	(pc) =	sbr.ind lr, $3  }
0x3a: {  	_ = 	snop  }
0x3b: {  	_ = 	snop  }
0x3c: {  	p2 =	seq.s32 s10, $0x1;
	s10 =	sld [smem:$0x3FB6]  }
0x3d: {  	_ =	shalt  }
0x3e: {  	_ =	shalt  }
0x3f: {  	_ =	shalt  }
0x40: {  	_ =	shalt  }
0x41: {  	_ =	shalt  }
0x42: {  	_ =	shalt  }
0x43: {  	_ =	shalt  }
0x44: {  	_ =	shalt  }
0x45: {  	_ =	shalt  }
0x46: {  	_ =	shalt  }
0x47: {  	_ =	shalt  }
0x48: {  	_ =	shalt  }
0x49: {  	_ =	shalt  }
0x4a: {  	_ =	shalt  }
0x4b: {  	_ =	shalt  }
0x4c: {  	_ =	shalt  }
0x4d: {  	_ =	shalt  }
0x4e: {  	_ =	shalt  }
0x4f: {  	_ =	shalt  }
0x50: {  	_ =	shalt  }
0x51: {  	_ =	shalt  }
0x52: {  	_ =	shalt  }
0x53: {  	_ =	shalt  }
0x54: {  	_ =	shalt  }
0x55: {  	_ =	shalt  }
0x56: {  	_ =	shalt  }
0x57: {  	_ =	shalt  }
0x58: {  	_ =	shalt  }
0x59: {  	_ =	shalt  }
0x5a: {  	_ =	shalt  }
0x5b: {  	_ =	shalt  }
0x5c: {  	_ =	shalt  }
0x5d: {  	_ =	shalt  }
0x5e: {  	_ =	shalt  }
0x5f: {  	_ =	shalt  }
0x60: {  	_ =	shalt  }
0x61: {  	_ =	shalt  }
0x62: {  	_ =	shalt  }
0x63: {  	_ =	shalt  }
0x64: {  	_ =	shalt  }
0x65: {  	_ =	shalt  }
0x66: {  	_ =	shalt  }
0x67: {  	_ =	shalt  }
0x68: {  	_ =	shalt  }
0x69: {  	_ =	shalt  }
0x6a: {  	_ =	shalt  }
0x6b: {  	_ =	shalt  }
0x6c: {  	_ =	shalt  }
0x6d: {  	_ =	shalt  }
0x6e: {  	_ =	shalt  }
0x6f: {  	_ =	shalt  }
0x70: {  	_ =	shalt  }
0x71: {  	_ =	shalt  }
0x72: {  	_ =	shalt  }
0x73: {  	_ =	shalt  }
0x74: {  	_ =	shalt  }
0x75: {  	_ =	shalt  }
0x76: {  	_ =	shalt  }
0x77: {  	_ =	shalt  }
0x78: {  	_ =	shalt  }
0x79: {  	_ =	shalt  }
0x7a: {  	_ =	shalt  }
0x7b: {  	_ =	shalt  }
0x7c: {  	_ =	shalt  }
0x7d: {  	_ =	shalt  }
0x7e: {  	_ =	shalt  }
0x7f: {  	_ =	shalt  }
0x80: {  	_ =	shalt  }
0x81: {  	_ =	shalt  }
0x82: {  	_ =	shalt  }
0x83: {  	_ =	shalt  }
0x84: {  	_ =	shalt  }
0x85: {  	_ =	shalt  }
0x86: {  	_ =	shalt  }
0x87: {  	_ =	shalt  }
.Lfunc_end0:
.L_simem_size_0:
called_computation_lowered:
.L_overlay_start_0:
0x88: {  	s2 =	sld [smem:$0x3FD9]  }
0x89: {  	s3 =	sld [smem:$0x3FFE];
	_ =	sdelay $0x1  }
0x8a: {  	s1 =	srdreg.scid  }
0x8b: {  	s0 =	sand.u32 $0x1, s1  }
0x8c: {  	s16 =	sshll.u32 s0, $0xA;
	s2 =	sadd.s32 s3, s2  }
0x8d: {  	s2 =	sadd.s32 s2, s16  }
0x8e: {  	[smem:$0x3FC2] =	sst s2  }
0x8f: {  	_ = 	snop  }
0x90: {  	(tm) =	ssettm $0x1  }
0x91: {  	s17 =	sld [smem:$0x3FFB];
	_ =	sdelay $0x3  }
0x92: {  	_ =	strace s17  }
0x93: {  	s2 =	sld [smem:$0x3FFC];
	_ =	sdelay $0x3  }
0x94: {  	_ =	strace s2  }
0x95: {  	s2 =	sld [smem:$0x3FFD];
	_ =	sdelay $0x3  }
0x96: {  	_ =	strace s2  }
0x97: {  	_ =	strace $0x8FFFFFFF  }
0x98: {  	s18 =	sld [smem:$0x3FDB];
	_ =	sdelay $0x1  }
0x99: {  	s19 =	simm.s32 $_scs_section_size  }
0x9a: {  	s4 =	simm.s32 $_size__tile_overlayer_lowered;
	s5 =	simm.s32 $_tile_overlayer_lowered  }
0x9b: {  	s22 =	simm.s32 $0x1BFF;
	s21 =	sshll.u32 s5, $0x1;
	s2 =	sadd.s32 s19, s18  }
0x9c: {  	s6 =	simm.s32 $0x0;
	s20 =	sshll.u32 s4, $0x1;
	s4 =	sadd.s32 s21, s2  }
0x9d: {  	[timem:s6], [sflag:s22] =	dma.local [hbm:s4], s20  }
0x9e: {  	_ =	swait.ge [sflag:s22], s20  }
0x9f: {  	s3 =	ssub.s32 $0x0, s20;
	[sflag:s22] =	ssyncset.done $0x0  }
0xa0: {  	[sflag:s22] =	ssyncadd.s32 s3;
	_ =	sdelay $0x1  }
0xa1: {  	s23 =	simm.s32 $0x1B8B  }
0xa2: {  	_ =	swait.ge [sflag:s23], $0x1  }
0xa3: {  	[sflag:s23] =	ssyncset.done $0x0  }
0xa4: {  	s25 =	simm.s32 $0x1B8E;
	s24 =	sld [smem:$0x3FFE];
	[sflag:s23] =	ssyncadd.s32 $0xFFFFFFFF  }
0xa5: {  	s26 =	simm.s32 $execute0_lowered;
	[smem:$0x3FD2] =	sst s25  }
0xa6: {  	s4 =	sshll.u32 s26, $0x1;
	_ =	strace $0x80000046;
	[dreg:$0x1] =	wrdreg $0xFFFFFFFF  }
0xa7: {  	s28 =	simm.s32 $_size_execute0_lowered;
	s2 =	sadd.s32 s2, s4;
	[dreg:$0x0] =	wrdreg $0x0  }
0xa8: {  	s4 =	sshll.u32 s28, $0x1;
	[dreg:$0x2] =	wrdreg s2  }
0xa9: {  	[dreg:$0x3] =	wrdreg s4  }
0xaa: {  	[dreg:$0x4] =	wrdreg $0xC0  }
0xab: {  	_ =	task [dreg:s6], $0x5FFFF  }
0xac: {  	[dreg:$0x1] =	wrdreg $0xFFFFFFFF  }
0xad: {  	[dreg:$0x0] =	wrdreg $0x60  }
0xae: {  	[dreg:$0x2] =	wrdreg s24  }
0xaf: {  	[dreg:$0x3] =	wrdreg $0x80800  }
0xb0: {  	[dreg:$0x4] =	wrdreg $0x82F80  }
0xb1: {  	[dreg:$0x5] =	wrdreg $0x9  }
0xb2: {  	_ =	task.clear_ibuf [dreg:s6], $0x6FFFF;
	_ =	strace $0x90000046  }
0xb3: {  	s29 =	simm.s32 $0x9;
	_ =	strace $0x80000048  }
0xb4: {  	_ =	swait.ge [sflag:s29], $0x1  }
0xb5: {  	[sflag:s29] =	ssyncadd.s32 $0xFFFFFFFF  }
0xb6: {  	_ =	strace $0x90000048  }
0xb7: {  	_ =	sfence  }
0xb8: {  	s30 =	sld [smem:$0x0];
	_ =	sdelay $0x2  }
0xb9: {  	s31 =	sshll.u32 s1, $0xD;
	s1 =	sshrl.u32 s1, $0x2  }
0xba: {  	s3 =	sand.u32 $0x4000, s31;
	s1 =	sadd.s32 s1, s30  }
0xbb: {  	s0 =	sor.u32 s3, s0;
	s1 =	sshll.u32 s1, $0x11  }
0xbc: {  	s0 =	sor.u32 s1, s0  }
0xbd: {  	s0 =	sadd.s32 $0x8F2B, s0  }
0xbe: {  	[sflag:s0] =	ssyncadd.remote.s32 $0x1  }
0xbf: {  	_ =	sfence.sel $0xFFFF  }
0xc0: {  	[dreg:$0x0] =	wrdreg $0xFFFFFFFF;
	(pc) =	sbr.abs _section_cstart, $3  }
0xc1: {  	[dreg:$0x1] =	wrdreg $0xFFFFFFFF  }
0xc2: {  	_ =	task.clear_ibuf [dreg:s6], $0x2FFFF;
	_ =	strace $0x9FFFFFFF  }
0xc3: {  	(tm) =	ssettm $0x7FFFFFFF  }
tec
execute0_lowered:
.L_overlay_start_1:
0x0: {  	(tag) =	ssettag $0x1  }
0x1: {  	s5 =	rddreg [dreg:$0x0]  }
0x2: {  	s1 =	rddreg [dreg:$0x1]  }
0x3: {  	s2 =	rddreg [dreg:$0x2]  }
0x4: {  	s0 =	rddreg [dreg:$0x3];
	s4 =	srdreg.scid  }
0x5: {  	s3 =	simm.s32 $0x0;
	s10 =	stileid.u32;
	s11 =	simm.s32 $0x4000  }
0x6: {  	s14 =	simm.s32 $0x50;
	s15 =	simm.s32 $0x8000;
	s16 =	simm.s32 $0x80  }
0x7: {  	s17 =	simm.s32 $0x4080;
	s18 =	simm.s32 $0x100;
	s19 =	simm.s32 $0x4100  }
0x8: {  	s20 =	simm.s32 $0x180;
	s21 =	simm.s32 $0x4180;
	s22 =	simm.s32 $0x1  }
0x9: {  	s23 =	simm.s32 $0x2;
	s24 =	simm.s32 $0x0;
	s4 =	sand.u32 $0x1, s4  }
0xa: {  	[smem:$0x7FF] =	sst s3;
	s7 =	sshll.u32 s10, $0xB;
	p0 =	sne.s32 s10, $0x0  }
0xb: {  	s10 =	simm.s32 $0x3;
	s6 =	sshll.u32 s4, $0xF;
	_ =	strace $0x80000047  }
0xc: {  	s31 =	ssub.s32 $0x2, s4;
	s8 =	sshll.u32 s4, $0x4;
	s4 =	sadd.s32 $0x35A00, s5  }
0xd: {  	s12 =	sshrl.u32 @!p0 s1, $0x3;
	s13 =	sshrl.u32 @!p0 s2, $0x3;
	s6 =	sor.u32 s7, s6  }
0xe: {  	s9 =	sshrl.u32 s31, $0x1;
	s8 =	sadd.s32 s8, s5;
	s6 =	sadd.s32 s6, s5  }
0xf: {  	s9 =	ssub.s32 s31, s9;
	s7 =	sadd.s32 $0x36000, s8;
	s8 =	sadd.s32 $0x36A00, s8  }
0x10: {  	v0 =	vimm.f32 $1.000000000e+00;
	s5 =	sadd.s32 $0x15A00, s6;
	s6 =	sadd.s32 $0x25A00, s6;
	s9 =	smax.u32 s9, $0x1  }
.LBB2_1:
0x11: {  	[tilespmem:s3], [sflag:$0x3] =	stream.linear.gather [hbm4b:s5+s3], $0x3E80, $0x38;
	[tilespmem:$0x8570] =	vst v63  }
0x12: {  	_ =	swait.ge [sflag:s10], $0x3E80  }
0x13: {  	[sflag:s10] =	ssyncset.done $0x0  }
0x14: {  	[sflag:s10] =	ssyncadd.s32 $0xFFFFC180  }
0x15: {  	[tilespmem:s11], [sflag:$0x3] =	stream.linear.gather [hbm4b:s6+s3], $0x3E80, $0x38;
	[tilespmem:$0x8570] =	vst v63  }
0x16: {  	_ =	swait.ge [sflag:s10], $0x3E80  }
0x17: {  	[sflag:s10] =	ssyncset.done $0x0  }
0x18: {  	[sflag:s10] =	ssyncadd.s32 $0xFFFFC180  }
0x19: {  	[tilespmem:$0x8000] =	vst v0  }
0x1a: {  	[tilespmem:$0x8010] =	vst v0  }
0x1b: {  	[tilespmem:$0x8020] =	vst v0  }
0x1c: {  	[tilespmem:$0x8030] =	vst v0  }
0x1d: {  	s25 =	simm.s32 @!p0 $0x1C03;
	s26 =	simm.s32 @!p0 $0x3;
	[tilespmem:$0x8040] =	vst v0  }
0x1e: {  	[spmem:s12], [sflag:s25] =	dma.local @!p0 [hbm:s4], $0x4F0  }
0x1f: {  	_ =	swait.ge @!p0 [sflag:s26], $0x4F0  }
0x20: {  	[sflag:s26] =	ssyncset.done @!p0 $0x0  }
0x21: {  	[sflag:s26] =	ssyncadd.s32 @!p0 $0xFFFFFB10  }
0x22: {  	[spmem:s13], [sflag:s25] =	dma.local @!p0 [hbm:s4], $0x4F0  }
0x23: {  	_ =	swait.ge @!p0 [sflag:s26], $0x4F0  }
0x24: {  	[sflag:s26] =	ssyncset.done @!p0 $0x0  }
0x25: {  	[sflag:s26] =	ssyncadd.s32 @!p0 $0xFFFFFB10  }
0x26: {  	[bflag:$0x0] =	sbarrier.arrive $0xFFFF  }
0x27: {  	[spmem:s1] =	stream.indirect.scatter.add.f32 [tilespmem:s15], [sflag:$0x1], $0x1, s3, s14, $0xb8;
	[tilespmem:$0x8570] =	vst v63  }
0x28: {  	_ = 	snop  }
0x29: {  	[spmem:s2] =	stream.indirect.scatter.add.f32 [tilespmem:s15], [sflag:$0x2], $0x1, s11, s14, $0xb8;
	[tilespmem:$0x8570] =	vst v63  }
0x2a: {  	_ = 	snop  }
0x2b: {  	[spmem:s1] =	stream.indirect.scatter.add.f32 [tilespmem:s15], [sflag:$0x1], $0x1, s16, s14, $0xb8;
	[tilespmem:$0x8570] =	vst v63  }
0x2c: {  	_ = 	snop  }
0x2d: {  	[spmem:s2] =	stream.indirect.scatter.add.f32 [tilespmem:s15], [sflag:$0x2], $0x1, s17, s14, $0xb8;
	[tilespmem:$0x8570] =	vst v63  }
0x2e: {  	_ = 	snop  }
0x2f: {  	[spmem:s1] =	stream.indirect.scatter.add.f32 [tilespmem:s15], [sflag:$0x1], $0x1, s18, s14, $0xb8;
	[tilespmem:$0x8570] =	vst v63  }
0x30: {  	_ = 	snop  }
0x31: {  	[spmem:s2] =	stream.indirect.scatter.add.f32 [tilespmem:s15], [sflag:$0x2], $0x1, s19, s14, $0xb8;
	[tilespmem:$0x8570] =	vst v63  }
0x32: {  	_ = 	snop  }
0x33: {  	[spmem:s1] =	stream.indirect.scatter.add.f32 [tilespmem:s15], [sflag:$0x1], $0x1, s20, s14, $0xb8;
	[tilespmem:$0x8570] =	vst v63  }
0x34: {  	_ = 	snop  }
0x35: {  	[spmem:s2] =	stream.indirect.scatter.add.f32 [tilespmem:s15], [sflag:$0x2], $0x1, s21, s14, $0xb8;
	[tilespmem:$0x8570] =	vst v63  }
0x36: {  	_ =	swait.ge [sflag:s22], $0x50  }
0x37: {  	[sflag:s22] =	ssyncset.done $0x0  }
0x38: {  	[sflag:s22] =	ssyncadd.s32 $0xFFFFFFB0  }
0x39: {  	_ =	swait.ge [sflag:s23], $0x50  }
0x3a: {  	s31 =	simm.s32 $0x200;
	[sflag:s23] =	ssyncset.done $0x0  }
0x3b: {  	s25 =	simm.s32 $0xA00;
	s26 =	simm.s32 $0x4200;
	[sflag:s23] =	ssyncadd.s32 $0xFFFFFFB0  }
0x3c: {  	[spmem:s1] =	stream.indirect.scatter.add.f32 [tilespmem:s15], [sflag:$0x1], $0x1, s31, s14, $0xb8;
	[tilespmem:$0x8570] =	vst v63  }
.LBB2_2:
0x3d: {  	[spmem:s2] =	stream.indirect.scatter.add.f32 [tilespmem:s15], [sflag:$0x2], $0x1, s26, s14, $0xb8;
	[tilespmem:$0x8570] =	vst v63  }
0x3e: {  	s26 =	smov.u32 s25  }
0x3f: {  	p1 =	sne.s32 s25, $0xF800;
	s25 =	sadd.s32 $0x200, s25;
	_ =	swait.ge [sflag:s22], $0x50  }
0x40: {  	[sflag:s22] =	ssyncset.done $0x0  }
0x41: {  	[sflag:s22] =	ssyncadd.s32 $0xFFFFFFB0  }
.Ltmp0:
0x42: {  	_ =	swait.ge [sflag:s23], $0x50;
	(pc) =	sbr.rel @p1 .LBB2_2-.Ltmp0, $4  }
0x43: {  	[sflag:s23] =	ssyncset.done $0x0  }
0x44: {  	s26 =	sshra.s32 s26, $0x2;
	[sflag:s23] =	ssyncadd.s32 $0xFFFFFFB0  }
0x45: {  	[spmem:s1] =	stream.indirect.scatter.add.f32 [tilespmem:s15], [sflag:$0x1], $0x1, s26, s14, $0xb8;
	[tilespmem:$0x8570] =	vst v63  }
0x46: {  	s26 =	sadd.s32 $0x4000, s26  }
0x47: {  	[spmem:s2] =	stream.indirect.scatter.add.f32 [tilespmem:s15], [sflag:$0x2], $0x1, s26, s14, $0xb8;
	[tilespmem:$0x8570] =	vst v63  }
0x48: {  	_ =	swait.ge [sflag:s22], $0x50  }
0x49: {  	[sflag:s22] =	ssyncset.done $0x0  }
0x4a: {  	[sflag:s22] =	ssyncadd.s32 $0xFFFFFFB0  }
0x4b: {  	_ =	swait.ge [sflag:s23], $0x50  }
0x4c: {  	[sflag:s23] =	ssyncset.done $0x0  }
0x4d: {  	[sflag:s23] =	ssyncadd.s32 $0xFFFFFFB0  }
0x4e: {  	_ =	swait.ge [sflag:s22], $0x50  }
0x4f: {  	[sflag:s22] =	ssyncset.done $0x0  }
0x50: {  	[sflag:s22] =	ssyncadd.s32 $0xFFFFFFB0  }
0x51: {  	_ =	swait.ge [sflag:s23], $0x50  }
0x52: {  	[sflag:s23] =	ssyncset.done $0x0  }
0x53: {  	[sflag:s23] =	ssyncadd.s32 $0xFFFFFFB0  }
0x54: {  	_ =	swait.ge [sflag:s22], $0x50  }
0x55: {  	[sflag:s22] =	ssyncset.done $0x0  }
0x56: {  	[sflag:s22] =	ssyncadd.s32 $0xFFFFFFB0  }
0x57: {  	_ =	swait.ge [sflag:s23], $0x50  }
0x58: {  	[sflag:s23] =	ssyncset.done $0x0  }
0x59: {  	[sflag:s23] =	ssyncadd.s32 $0xFFFFFFB0  }
0x5a: {  	_ =	swait.ge [sflag:s22], $0x50  }
0x5b: {  	[sflag:s22] =	ssyncset.done $0x0  }
0x5c: {  	[sflag:s22] =	ssyncadd.s32 $0xFFFFFFB0  }
0x5d: {  	_ =	swait.ge [sflag:s23], $0x50  }
0x5e: {  	s25 =	simm.s32 @!p0 $0x1;
	[sflag:s23] =	ssyncset.done $0x0  }
0x5f: {  	s26 =	simm.s32 @!p0 $0x20;
	s28 =	simm.s32 @!p0 $0x10;
	[sflag:s23] =	ssyncadd.s32 $0xFFFFFFB0  }
0x60: {  	s29 =	simm.s32 @!p0 $0x1C03;
	s30 =	simm.s32 @!p0 $0x3;
	[bflag:$0x0] =	sbarrier.arrive $0xFFFF  }
0x61: {  	[hbm:s7@s26], [sflag:s29] =	dma.strided @!p0 [spmem:s12@s28], $0x4F0, s25, $0x10   }
0x62: {  	s24 =	sadd.s32 $0x1, s24;
	_ =	swait.ge @!p0 [sflag:s30], $0x4F0  }
0x63: {  	p1 =	sne.s32 s24, s9;
	[sflag:s30] =	ssyncset.done @!p0 $0x0  }
.Ltmp1:
0x64: {  	[sflag:s30] =	ssyncadd.s32 @!p0 $0xFFFFFB10;
	(pc) =	sbr.rel @p1 .LBB2_1-.Ltmp1, $4  }
0x65: {  	[hbm:s8@s26], [sflag:s29] =	dma.strided @!p0 [spmem:s13@s28], $0x4F0, s25, $0x10   }
0x66: {  	_ =	swait.ge @!p0 [sflag:s30], $0x4F0  }
0x67: {  	[sflag:s30] =	ssyncset.done @!p0 $0x0  }
0x68: {  	[sflag:s30] =	ssyncadd.s32 @!p0 $0xFFFFFB10  }
0x69: {  	_ =	sfence.sel $0x180000  }
0x6a: {  	[bflag:$0x0] =	sbarrier.arrive $0xFFFF  }
0x6b: {  	_ =	strace $0x90000047  }
0x6c: {  	s0 =	sadd.s32 @!p0 $0x100000, s0;
	[bflag:$0x2] =	sbarrier.arrive $0xFFFF  }
0x6d: {  	[sflag:s0] =	ssyncadd.tile.s32 @!p0 $0x1;
	_ =	shalt  }
.Lfunc_end2:
_tile_overlayer_lowered:
.L_overlay_start_2:
0x6e: {  	(tag) =	ssettag $0x2  }
0x6f: {  	s0 =	rddreg [dreg:$0x0];
	s2 =	stileid.u32  }
0x70: {  	s1 =	rddreg [dreg:$0x1];
	p0 =	sne.s32 s2, $0x0  }
0x71: {  	s3 =	rddreg [dreg:$0x2];
	[bflag:$0x3] =	sbarrier.arrive $0xFFFF;
	s2 =	simm.s32 @!p0 $0x1C03  }
0x72: {  	[timem:s3], [sflag:s2] =	dma.local @!p0 [hbm:s0], s1  }
0x73: {  	s0 =	simm.s32 @!p0 $0x3  }
0x74: {  	_ =	swait.ge @!p0 [sflag:s0], s1  }
0x75: {  	s1 =	ssub.s32 @!p0 $0x0, s1;
	[sflag:s0] =	ssyncset.done @!p0 $0x0  }
0x76: {  	[sflag:s0] =	ssyncadd.s32 @!p0 s1  }
0x77: {  	[bflag:$0x3] =	sbarrier.arrive $0xFFFF  }
0x78: {  	_ =	shalt  }

</sc_bundles>
